<compile_context>
chip_gen: v7x
topology: tpu7x:2x2x1
jax: 0.10.2.dev20260603
libtpu: 0.0.44.dev20260713+nightly
codegen_flags: <defaults>
</compile_context>

<pallas_src>
import functools

import jax
import jax.numpy as jnp
from jax import lax
from jax.experimental import pallas as pl
from jax.experimental.pallas import tpu as pltpu
from jax.experimental.pallas import tpu_sc as plsc

N = 10000
E = 160000
D = 128

NC = 2
NS = 16
L = 16
NW = NC * NS

EPW = E // NS
GRP = EPW // L
SROW = 1024
CPAD = EPW + SROW + L
FW = (N * N) // NW
FCH = 25000


def _pq_body(h_ref, w_ref, b_ref, pq_ref):
    h = h_ref[...]
    w1 = w_ref[0, :]
    w2 = w_ref[1, :]
    p = jnp.sum(h * w1[None, :], axis=1) + b_ref[0, 0]
    q = jnp.sum(h * w2[None, :], axis=1)
    pq_ref[pl.ds(0, 1), :] = p.reshape(1, N)
    pq_ref[pl.ds(1, 1), :] = q.reshape(1, N)


_pq_call = pl.pallas_call(
    _pq_body,
    out_shape=jax.ShapeDtypeStruct((2, N), jnp.float32),
)


_mesh = plsc.VectorSubcoreMesh(core_axis_name="c", subcore_axis_name="s")


@functools.partial(
    pl.kernel,
    out_type=jax.ShapeDtypeStruct((N * N,), jnp.float32),
    mesh=_mesh,
    scratch_types=[
        pltpu.VMEM((FCH,), jnp.float32),
        pltpu.VMEM((EPW,), jnp.int32),
        pltpu.VMEM((EPW,), jnp.int32),
        pltpu.VMEM((EPW,), jnp.float32),
        pltpu.VMEM((N,), jnp.float32),
        pltpu.VMEM((N,), jnp.float32),
        pltpu.VMEM((L,), jnp.float32),
        pltpu.VMEM((CPAD,), jnp.int32),
        pltpu.VMEM((CPAD,), jnp.float32),
        pltpu.SemaphoreType.DMA,
        pltpu.SemaphoreType.DMA,
    ],
    compiler_params=pltpu.CompilerParams(needs_layout_passes=False),
)
def _sc_kernel(pq_hbm, src_hbm, dst_hbm, w_hbm, c_hbm, out_hbm,
               fill_v, src_v, dst_v, w_v, p_v, q_v, c_v,
               cidx_v, cval_v, sem, fsem):
    cid = lax.axis_index("c")
    sid = lax.axis_index("s")
    wid = cid * NS + sid

    neg = jnp.full((L,), -jnp.inf, jnp.float32)

    def _init_fill(i, carry):
        fill_v[pl.ds(i * L, L)] = neg
        return carry
    lax.fori_loop(0, FCH // L, _init_fill, 0)
    fill_v[pl.ds(FCH - L, L)] = neg

    base = wid * FW

    def _fill_start(k, carry):
        pltpu.async_copy(fill_v, out_hbm.at[pl.ds(base + k * FCH, FCH)], fsem)
        return carry
    lax.fori_loop(0, FW // FCH, _fill_start, 0)

    eoff = sid * EPW
    pltpu.sync_copy(src_hbm.at[pl.ds(eoff, EPW)], src_v)
    pltpu.sync_copy(dst_hbm.at[pl.ds(eoff, EPW)], dst_v)
    pltpu.sync_copy(w_hbm.at[pl.ds(eoff, EPW)], w_v)
    pltpu.sync_copy(pq_hbm.at[0], p_v)
    pltpu.sync_copy(pq_hbm.at[1], q_v)
    pltpu.sync_copy(c_hbm, c_v)

    c_vec = c_v[...]
    lo_v = jnp.broadcast_to(cid * (N // NC), (L,)).astype(jnp.int32)
    hi_v = lo_v + (N // NC)
    n_vec = jnp.full((L,), N, jnp.int32)
    iota = lax.iota(jnp.int32, L)
    np1_vec = jnp.full((L,), N + 1, jnp.int32)

    def _compute(j, cnt):
        e0 = j * L
        sv = src_v[pl.ds(e0, L)]
        dv = dst_v[pl.ds(e0, L)]
        wv = w_v[pl.ds(e0, L)]
        pv = plsc.load_gather(p_v, [sv])
        qv = plsc.load_gather(q_v, [dv])
        sc = pv + qv + wv * c_vec
        valid = (sv >= lo_v) & (sv < hi_v) & (sv != dv)
        plsc.store_compressed(cidx_v.at[pl.ds(cnt, L)], sv * n_vec + dv,
                              mask=valid)
        plsc.store_compressed(cval_v.at[pl.ds(cnt, L)], sc, mask=valid)
        return cnt + jnp.sum(valid.astype(jnp.int32))
    cnt = lax.fori_loop(0, GRP, _compute, jnp.int32(0))

    for t in range(SROW // L):
        cidx_v[pl.ds(cnt + t * L, L)] = (lo_v + t * L + iota) * np1_vec
        cval_v[pl.ds(cnt + t * L, L)] = neg
    nrows = (cnt + SROW - 1) // SROW

    def _fill_wait(k, carry):
        pltpu.make_async_copy(
            fill_v, out_hbm.at[pl.ds(base + k * FCH, FCH)], fsem).wait()
        return carry
    lax.fori_loop(0, FW // FCH, _fill_wait, 0)

    plsc.subcore_barrier()

    def _scatter_start(j, carry):
        pltpu.async_copy(cval_v.at[pl.ds(j * SROW, SROW)],
                         out_hbm.at[cidx_v.at[pl.ds(j * SROW, SROW)]], sem)
        return carry
    lax.fori_loop(0, nrows, _scatter_start, 0)

    def _scatter_wait(j, carry):
        pltpu.make_async_copy(cval_v.at[pl.ds(j * SROW, SROW)],
                              out_hbm.at[cidx_v.at[pl.ds(j * SROW, SROW)]],
                              sem).wait()
        return carry
    lax.fori_loop(0, nrows, _scatter_wait, 0)


def kernel(h, edge_index, edge_weight, W, b):
    w12 = W[: 2 * D].reshape(2, D)
    b11 = jnp.reshape(b, (1, 1)).astype(jnp.float32)
    pq = _pq_call(h, w12, b11)
    c16 = jnp.broadcast_to(W[2 * D], (L,)).astype(jnp.float32)
    out_flat = _sc_kernel(pq, edge_index[0], edge_index[1],
                          edge_weight, c16)
    return out_flat.reshape(N, N)

# --- scband reference (transcript-rebuilt; emitter-appended) ---
"""Pipeline reference for scband-predecessor-87849261073012 (READ-ONLY COPY).

The authoritative reference and input builder live on the scoring server;
editing this copy changes nothing except your own understanding.
"""

import jax, jax.numpy as jnp
import numpy as np

N = 10000
E = 160000
D = 128


def setup_inputs(seed: int = 0) -> dict:
    key = jax.random.key(seed)
    k1, k2, k3, k4, k5 = jax.random.split(key, 5)
    h = jax.random.normal(k1, (N, D), dtype=jnp.float32)
    edge_index = jax.random.randint(k2, (2, E), 0, N, dtype=jnp.int32)
    edge_weight = jax.random.uniform(k3, (E,), dtype=jnp.float32)
    # nn.Linear(2*D+1, 1) parameters
    W = jax.random.normal(k4, (2 * D + 1,), dtype=jnp.float32) * 0.02
    b = jax.random.normal(k5, (), dtype=jnp.float32) * 0.02
    return {"h": h, "edge_index": edge_index, "edge_weight": edge_weight, "W": W, "b": b}


def reference(h, edge_index, edge_weight, W, b):
    # Vectorized, faithful translation of the per-node / per-neighbor loop:
    # for each node, scores over all nodes init to -inf; for each edge
    # (node -> neigh, weight) with neigh != node:
    #   scores[node, neigh] = proj(cat(h[node], h[neigh], weight))
    src = edge_index[0]
    dst = edge_index[1]
    feats = jnp.concatenate([h[src], h[dst], edge_weight[:, None]], axis=1)  # [E, 2D+1]
    e_scores = feats @ W + b  # [E]
    neg_inf = jnp.array(-jnp.inf, dtype=h.dtype)
    # self-loops are skipped in the original loop -> stay -inf
    e_scores = jnp.where(src != dst, e_scores, neg_inf)
    out = jnp.full((N, N), neg_inf, dtype=h.dtype)
    out = out.at[src, dst].set(e_scores)
    return out

if __name__ == "__main__":
    import jax
    _d = setup_inputs()
    print(jax.jit(kernel)(*tuple(_d.values())))

</pallas_src>

<mosaic_0001>
#map = affine_map<(d0, d1) -> (0, 0)>
#map1 = affine_map<(d0, d1) -> (0)>
module attributes {stable_mosaic.version = 14 : i64} {
  func.func @_sc_kernel(%arg0: i32, %arg1: i32, %arg2: memref<2x10000xf32, #tpu.memory_space<hbm>>, %arg3: memref<160000xi32, #tpu.memory_space<hbm>>, %arg4: memref<160000xi32, #tpu.memory_space<hbm>>, %arg5: memref<160000xf32, #tpu.memory_space<hbm>>, %arg6: memref<16xf32, #tpu.memory_space<hbm>>, %arg7: memref<100000000xf32, #tpu.memory_space<hbm>>, %arg8: memref<25000xf32, #tpu.memory_space<vmem>>, %arg9: memref<10000xi32, #tpu.memory_space<vmem>>, %arg10: memref<10000xi32, #tpu.memory_space<vmem>>, %arg11: memref<10000xf32, #tpu.memory_space<vmem>>, %arg12: memref<10000xf32, #tpu.memory_space<vmem>>, %arg13: memref<10000xf32, #tpu.memory_space<vmem>>, %arg14: memref<16xf32, #tpu.memory_space<vmem>>, %arg15: memref<11040xi32, #tpu.memory_space<vmem>>, %arg16: memref<11040xf32, #tpu.memory_space<vmem>>, %arg17: memref<!tpu.dma_semaphore, #tpu.memory_space<semaphore_mem>>, %arg18: memref<!tpu.dma_semaphore, #tpu.memory_space<semaphore_mem>>) attributes {dimension_semantics = [#tpu.dimension_semantics<core_parallel>, #tpu.dimension_semantics<subcore_parallel>], iteration_bounds = array<i64: 2, 16>, scalar_prefetch = 0 : i64, scratch_operands = 11 : i64, tpu.core_type = #tpu.core_type<sc_vector_subcore>, window_params = [{transform_indices = #map}, {transform_indices = #map1}, {transform_indices = #map1}, {transform_indices = #map1}, {transform_indices = #map1}, {transform_indices = #map1}]} {
    %mul3A = arith.constant 16 : i32
    %mul3A_0 = arith.muli %arg0, %mul3A : i32
    %add3A = arith.addi %mul3A_0, %arg1 : i32
    %broadcast_in_dim3A = arith.constant 0xFF800000 : f32
    %broadcast_in_dim3A_1 = vector.broadcast %broadcast_in_dim3A : f32 to vector<16xf32>
    %scan3A = arith.constant 0 : i32
    %scan3A_2 = arith.constant 0 : i32
    %scan3A_3 = arith.constant 1562 : i32
    %scan3A_4 = arith.addi %scan3A_2, %scan3A_3 : i32
    %scan3A_5 = arith.constant 1 : i32
    scf.for %scan3A_914 = %scan3A_2 to %scan3A_4 step %scan3A_5  : i32 {
      %mul3A_915 = arith.constant 16 : i32
      %mul3A_916 = arith.muli %scan3A_914, %mul3A_915 : i32
      %swap3A_917 = arith.index_cast %mul3A_916 : i32 to index
      %swap3A_918 = tpu.vector_load %arg8[%swap3A_917] {strides = array<i32>} : memref<25000xf32, #tpu.memory_space<vmem>>, vector<16xf32>,
      tpu.vector_store %arg8[%swap3A_917], %broadcast_in_dim3A_1 {strides = array<i32>} : memref<25000xf32, #tpu.memory_space<vmem>>, vector<16xf32>,
    }
    %scan3A_6 = arith.constant 1562 : i32
    %swap3A = arith.constant 24984 : index
    %swap3A_7 = tpu.vector_load %arg8[%swap3A] {strides = array<i32>} : memref<25000xf32, #tpu.memory_space<vmem>>, vector<16xf32>,
    tpu.vector_store %arg8[%swap3A], %broadcast_in_dim3A_1 {strides = array<i32>} : memref<25000xf32, #tpu.memory_space<vmem>>, vector<16xf32>,
    %mul3A_8 = arith.constant 3125000 : i32
    %mul3A_9 = arith.muli %add3A, %mul3A_8 : i32
    %scan3A_10 = arith.constant 0 : i32
    %scan3A_11 = arith.constant 0 : i32
    %scan3A_12 = arith.constant 125 : i32
    %scan3A_13 = arith.addi %scan3A_11, %scan3A_12 : i32
    %scan3A_14 = arith.constant 1 : i32
    scf.for %scan3A_914 = %scan3A_11 to %scan3A_13 step %scan3A_14  : i32 {
      %mul3A_915 = arith.constant 25000 : i32
      %mul3A_916 = arith.muli %scan3A_914, %mul3A_915 : i32
      %add3A_917 = arith.addi %mul3A_9, %mul3A_916 : i32
      %dma_start3A = tpu.memref_slice %arg7[%add3A_917] : memref<100000000xf32, #tpu.memory_space<hbm>> -> memref<25000xf32, #tpu.memory_space<hbm>>
      %dma_start3A_918 = tpu.memref_slice %arg7[%add3A_917] : memref<100000000xf32, #tpu.memory_space<hbm>> -> memref<25000xf32, #tpu.memory_space<hbm>>
      tpu.enqueue_dma source(%arg8 : memref<25000xf32, #tpu.memory_space<vmem>>) target(%dma_start3A_918 : memref<25000xf32, #tpu.memory_space<hbm>>) target_semaphore(%arg18 : memref<!tpu.dma_semaphore, #tpu.memory_space<semaphore_mem>>)
    }
    %scan3A_15 = arith.constant 125 : i32
    %mul3A_16 = arith.constant 10000 : i32
    %mul3A_17 = arith.muli %arg1, %mul3A_16 : i32
    "tpu.region"() ({
      %run_scoped3A_914 = tpu.sem_alloc : memref<!tpu.dma_semaphore, #tpu.memory_space<semaphore_mem>>
      %dma_start3A = tpu.memref_slice %arg3[%mul3A_17] : memref<160000xi32, #tpu.memory_space<hbm>> -> memref<10000xi32, #tpu.memory_space<hbm>>
      %dma_start3A_915 = tpu.memref_slice %arg3[%mul3A_17] : memref<160000xi32, #tpu.memory_space<hbm>> -> memref<10000xi32, #tpu.memory_space<hbm>>
      tpu.enqueue_dma source(%dma_start3A_915 : memref<10000xi32, #tpu.memory_space<hbm>>) target(%arg9 : memref<10000xi32, #tpu.memory_space<vmem>>) target_semaphore(%run_scoped3A_914 : memref<!tpu.dma_semaphore, #tpu.memory_space<semaphore_mem>>)
      %dma_wait3A = tpu.memref_slice %arg3[%mul3A_17] : memref<160000xi32, #tpu.memory_space<hbm>> -> memref<10000xi32, #tpu.memory_space<hbm>>
      %dma_wait3A_916 = tpu.memref_slice %arg3[%mul3A_17] : memref<160000xi32, #tpu.memory_space<hbm>> -> memref<10000xi32, #tpu.memory_space<hbm>>
      tpu.wait_dma2 semaphore(%run_scoped3A_914 : memref<!tpu.dma_semaphore, #tpu.memory_space<semaphore_mem>>) src(%dma_wait3A_916 : memref<10000xi32, #tpu.memory_space<hbm>>) dst(%arg9 : memref<10000xi32, #tpu.memory_space<vmem>>)
      tpu.yield
    }) : () -> ()
    "tpu.region"() ({
      %run_scoped3A_914 = tpu.sem_alloc : memref<!tpu.dma_semaphore, #tpu.memory_space<semaphore_mem>>
      %dma_start3A = tpu.memref_slice %arg4[%mul3A_17] : memref<160000xi32, #tpu.memory_space<hbm>> -> memref<10000xi32, #tpu.memory_space<hbm>>
      %dma_start3A_915 = tpu.memref_slice %arg4[%mul3A_17] : memref<160000xi32, #tpu.memory_space<hbm>> -> memref<10000xi32, #tpu.memory_space<hbm>>
      tpu.enqueue_dma source(%dma_start3A_915 : memref<10000xi32, #tpu.memory_space<hbm>>) target(%arg10 : memref<10000xi32, #tpu.memory_space<vmem>>) target_semaphore(%run_scoped3A_914 : memref<!tpu.dma_semaphore, #tpu.memory_space<semaphore_mem>>)
      %dma_wait3A = tpu.memref_slice %arg4[%mul3A_17] : memref<160000xi32, #tpu.memory_space<hbm>> -> memref<10000xi32, #tpu.memory_space<hbm>>
      %dma_wait3A_916 = tpu.memref_slice %arg4[%mul3A_17] : memref<160000xi32, #tpu.memory_space<hbm>> -> memref<10000xi32, #tpu.memory_space<hbm>>
      tpu.wait_dma2 semaphore(%run_scoped3A_914 : memref<!tpu.dma_semaphore, #tpu.memory_space<semaphore_mem>>) src(%dma_wait3A_916 : memref<10000xi32, #tpu.memory_space<hbm>>) dst(%arg10 : memref<10000xi32, #tpu.memory_space<vmem>>)
      tpu.yield
    }) : () -> ()
    "tpu.region"() ({
      %run_scoped3A_914 = tpu.sem_alloc : memref<!tpu.dma_semaphore, #tpu.memory_space<semaphore_mem>>
      %dma_start3A = tpu.memref_slice %arg5[%mul3A_17] : memref<160000xf32, #tpu.memory_space<hbm>> -> memref<10000xf32, #tpu.memory_space<hbm>>
      %dma_start3A_915 = tpu.memref_slice %arg5[%mul3A_17] : memref<160000xf32, #tpu.memory_space<hbm>> -> memref<10000xf32, #tpu.memory_space<hbm>>
      tpu.enqueue_dma source(%dma_start3A_915 : memref<10000xf32, #tpu.memory_space<hbm>>) target(%arg11 : memref<10000xf32, #tpu.memory_space<vmem>>) target_semaphore(%run_scoped3A_914 : memref<!tpu.dma_semaphore, #tpu.memory_space<semaphore_mem>>)
      %dma_wait3A = tpu.memref_slice %arg5[%mul3A_17] : memref<160000xf32, #tpu.memory_space<hbm>> -> memref<10000xf32, #tpu.memory_space<hbm>>
      %dma_wait3A_916 = tpu.memref_slice %arg5[%mul3A_17] : memref<160000xf32, #tpu.memory_space<hbm>> -> memref<10000xf32, #tpu.memory_space<hbm>>
      tpu.wait_dma2 semaphore(%run_scoped3A_914 : memref<!tpu.dma_semaphore, #tpu.memory_space<semaphore_mem>>) src(%dma_wait3A_916 : memref<10000xf32, #tpu.memory_space<hbm>>) dst(%arg11 : memref<10000xf32, #tpu.memory_space<vmem>>)
      tpu.yield
    }) : () -> ()
    %run_scoped3A = arith.constant 0 : i32
    "tpu.region"() ({
      %run_scoped3A_914 = tpu.sem_alloc : memref<!tpu.dma_semaphore, #tpu.memory_space<semaphore_mem>>
      %dma_start3A = arith.constant 0 : i32
      %dma_start3A_915 = tpu.memref_slice %arg2[%run_scoped3A, %dma_start3A] : memref<2x10000xf32, #tpu.memory_space<hbm>> -> memref<1x10000xf32, #tpu.memory_space<hbm>>
      %dma_start3A_916 = tpu.memref_squeeze %dma_start3A_915 : memref<1x10000xf32, #tpu.memory_space<hbm>> -> memref<10000xf32, #tpu.memory_space<hbm>>
      %dma_start3A_917 = arith.constant 0 : i32
      %dma_start3A_918 = tpu.memref_slice %arg2[%run_scoped3A, %dma_start3A_917] : memref<2x10000xf32, #tpu.memory_space<hbm>> -> memref<1x10000xf32, #tpu.memory_space<hbm>>
      %dma_start3A_919 = tpu.memref_squeeze %dma_start3A_918 : memref<1x10000xf32, #tpu.memory_space<hbm>> -> memref<10000xf32, #tpu.memory_space<hbm>>
      tpu.enqueue_dma source(%dma_start3A_919 : memref<10000xf32, #tpu.memory_space<hbm>>) target(%arg12 : memref<10000xf32, #tpu.memory_space<vmem>>) target_semaphore(%run_scoped3A_914 : memref<!tpu.dma_semaphore, #tpu.memory_space<semaphore_mem>>)
      %dma_wait3A = arith.constant 0 : i32
      %dma_wait3A_920 = tpu.memref_slice %arg2[%run_scoped3A, %dma_wait3A] : memref<2x10000xf32, #tpu.memory_space<hbm>> -> memref<1x10000xf32, #tpu.memory_space<hbm>>
      %dma_wait3A_921 = tpu.memref_squeeze %dma_wait3A_920 : memref<1x10000xf32, #tpu.memory_space<hbm>> -> memref<10000xf32, #tpu.memory_space<hbm>>
      %dma_wait3A_922 = arith.constant 0 : i32
      %dma_wait3A_923 = tpu.memref_slice %arg2[%run_scoped3A, %dma_wait3A_922] : memref<2x10000xf32, #tpu.memory_space<hbm>> -> memref<1x10000xf32, #tpu.memory_space<hbm>>
      %dma_wait3A_924 = tpu.memref_squeeze %dma_wait3A_923 : memref<1x10000xf32, #tpu.memory_space<hbm>> -> memref<10000xf32, #tpu.memory_space<hbm>>
      tpu.wait_dma2 semaphore(%run_scoped3A_914 : memref<!tpu.dma_semaphore, #tpu.memory_space<semaphore_mem>>) src(%dma_wait3A_924 : memref<10000xf32, #tpu.memory_space<hbm>>) dst(%arg12 : memref<10000xf32, #tpu.memory_space<vmem>>)
      tpu.yield
    }) : () -> ()
    %run_scoped3A_18 = arith.constant 1 : i32
    "tpu.region"() ({
      %run_scoped3A_914 = tpu.sem_alloc : memref<!tpu.dma_semaphore, #tpu.memory_space<semaphore_mem>>
      %dma_start3A = arith.constant 0 : i32
      %dma_start3A_915 = tpu.memref_slice %arg2[%run_scoped3A_18, %dma_start3A] : memref<2x10000xf32, #tpu.memory_space<hbm>> -> memref<1x10000xf32, #tpu.memory_space<hbm>>
      %dma_start3A_916 = tpu.memref_squeeze %dma_start3A_915 : memref<1x10000xf32, #tpu.memory_space<hbm>> -> memref<10000xf32, #tpu.memory_space<hbm>>
      %dma_start3A_917 = arith.constant 0 : i32
      %dma_start3A_918 = tpu.memref_slice %arg2[%run_scoped3A_18, %dma_start3A_917] : memref<2x10000xf32, #tpu.memory_space<hbm>> -> memref<1x10000xf32, #tpu.memory_space<hbm>>
      %dma_start3A_919 = tpu.memref_squeeze %dma_start3A_918 : memref<1x10000xf32, #tpu.memory_space<hbm>> -> memref<10000xf32, #tpu.memory_space<hbm>>
      tpu.enqueue_dma source(%dma_start3A_919 : memref<10000xf32, #tpu.memory_space<hbm>>) target(%arg13 : memref<10000xf32, #tpu.memory_space<vmem>>) target_semaphore(%run_scoped3A_914 : memref<!tpu.dma_semaphore, #tpu.memory_space<semaphore_mem>>)
      %dma_wait3A = arith.constant 0 : i32
      %dma_wait3A_920 = tpu.memref_slice %arg2[%run_scoped3A_18, %dma_wait3A] : memref<2x10000xf32, #tpu.memory_space<hbm>> -> memref<1x10000xf32, #tpu.memory_space<hbm>>
      %dma_wait3A_921 = tpu.memref_squeeze %dma_wait3A_920 : memref<1x10000xf32, #tpu.memory_space<hbm>> -> memref<10000xf32, #tpu.memory_space<hbm>>
      %dma_wait3A_922 = arith.constant 0 : i32
      %dma_wait3A_923 = tpu.memref_slice %arg2[%run_scoped3A_18, %dma_wait3A_922] : memref<2x10000xf32, #tpu.memory_space<hbm>> -> memref<1x10000xf32, #tpu.memory_space<hbm>>
      %dma_wait3A_924 = tpu.memref_squeeze %dma_wait3A_923 : memref<1x10000xf32, #tpu.memory_space<hbm>> -> memref<10000xf32, #tpu.memory_space<hbm>>
      tpu.wait_dma2 semaphore(%run_scoped3A_914 : memref<!tpu.dma_semaphore, #tpu.memory_space<semaphore_mem>>) src(%dma_wait3A_924 : memref<10000xf32, #tpu.memory_space<hbm>>) dst(%arg13 : memref<10000xf32, #tpu.memory_space<vmem>>)
      tpu.yield
    }) : () -> ()
    "tpu.region"() ({
      %run_scoped3A_914 = tpu.sem_alloc : memref<!tpu.dma_semaphore, #tpu.memory_space<semaphore_mem>>
      tpu.enqueue_dma source(%arg6 : memref<16xf32, #tpu.memory_space<hbm>>) target(%arg14 : memref<16xf32, #tpu.memory_space<vmem>>) target_semaphore(%run_scoped3A_914 : memref<!tpu.dma_semaphore, #tpu.memory_space<semaphore_mem>>)
      tpu.wait_dma2 semaphore(%run_scoped3A_914 : memref<!tpu.dma_semaphore, #tpu.memory_space<semaphore_mem>>) src(%arg6 : memref<16xf32, #tpu.memory_space<hbm>>) dst(%arg14 : memref<16xf32, #tpu.memory_space<vmem>>)
      tpu.yield
    }) : () -> ()
    %get3A = arith.constant 0 : index
    %get3A_19 = tpu.vector_load %arg14[%get3A] {strides = array<i32>} : memref<16xf32, #tpu.memory_space<vmem>>, vector<16xf32>,
    %mul3A_20 = arith.constant 5000 : i32
    %mul3A_21 = arith.muli %arg0, %mul3A_20 : i32
    %broadcast_in_dim3A_22 = vector.broadcast %mul3A_21 : i32 to vector<16xi32>
    %add3A_23 = arith.constant 5000 : i32
    %add3A_24 = vector.broadcast %add3A_23 : i32 to vector<16xi32>
    %add3A_25 = arith.addi %broadcast_in_dim3A_22, %add3A_24 : vector<16xi32>
    %broadcast_in_dim3A_26 = arith.constant 10000 : i32
    %broadcast_in_dim3A_27 = vector.broadcast %broadcast_in_dim3A_26 : i32 to vector<16xi32>
    %iota3A = tpu.iota {dimensions = array<i32: 0>} : vector<16xi32>
    %broadcast_in_dim3A_28 = arith.constant 10001 : i32
    %broadcast_in_dim3A_29 = vector.broadcast %broadcast_in_dim3A_28 : i32 to vector<16xi32>
    %scan3A_30 = arith.constant 0 : i32
    %scan3A_31 = arith.constant 0 : i32
    %scan3A_32 = arith.constant 625 : i32
    %scan3A_33 = arith.addi %scan3A_31, %scan3A_32 : i32
    %scan3A_34 = arith.constant 1 : i32
    %scan3A_35 = scf.for %scan3A_914 = %scan3A_31 to %scan3A_33 step %scan3A_34 iter_args(%scan3A_915 = %scan3A_30) -> (i32)  : i32 {
      %mul3A_916 = arith.constant 16 : i32
      %mul3A_917 = arith.muli %scan3A_914, %mul3A_916 : i32
      %get3A_918 = arith.index_cast %mul3A_917 : i32 to index
      %get3A_919 = tpu.vector_load %arg9[%get3A_918] {strides = array<i32>} : memref<10000xi32, #tpu.memory_space<vmem>>, vector<16xi32>,
      %get3A_920 = arith.index_cast %mul3A_917 : i32 to index
      %get3A_921 = tpu.vector_load %arg10[%get3A_920] {strides = array<i32>} : memref<10000xi32, #tpu.memory_space<vmem>>, vector<16xi32>,
      %get3A_922 = arith.index_cast %mul3A_917 : i32 to index
      %get3A_923 = tpu.vector_load %arg11[%get3A_922] {strides = array<i32>} : memref<10000xf32, #tpu.memory_space<vmem>>, vector<16xf32>,
      %gather3A = tpu.vector_load_idx %arg12[%get3A_919] : memref<10000xf32, #tpu.memory_space<vmem>>[vector<16xi32>], vector<16xf32>,
      %gather3A_924 = tpu.vector_load_idx %arg13[%get3A_921] : memref<10000xf32, #tpu.memory_space<vmem>>[vector<16xi32>], vector<16xf32>,
      %add3A_925 = arith.addf %gather3A, %gather3A_924 : vector<16xf32>
      %mul3A_926 = arith.mulf %get3A_923, %get3A_19 : vector<16xf32>
      %add3A_927 = arith.addf %add3A_925, %mul3A_926 : vector<16xf32>
      %ge3A = arith.cmpi sge, %get3A_919, %broadcast_in_dim3A_22 : vector<16xi32>
      %lt3A = arith.cmpi slt, %get3A_919, %add3A_25 : vector<16xi32>
      %and3A_928 = arith.andi %ge3A, %lt3A : vector<16xi1>
      %ne3A_929 = arith.cmpi ne, %get3A_919, %get3A_921 : vector<16xi32>
      %and3A_930 = arith.andi %and3A_928, %ne3A_929 : vector<16xi1>
      %mul3A_931 = arith.muli %get3A_919, %broadcast_in_dim3A_27 : vector<16xi32>
      %add3A_932 = arith.addi %mul3A_931, %get3A_921 : vector<16xi32>
      %swap3A_933 = arith.index_cast %scan3A_915 : i32 to index
      %swap3A_934 = tpu.vector_load %arg15[%swap3A_933] masked %and3A_930 {strides = array<i32>} : memref<11040xi32, #tpu.memory_space<vmem>>, vector<16xi32>, vector<16xi1>
      tpu.vector_store %arg15[%swap3A_933], %add3A_932 masked %and3A_930 {strides = array<i32>} : memref<11040xi32, #tpu.memory_space<vmem>>, vector<16xi32>, vector<16xi1>
      %swap3A_935 = arith.index_cast %scan3A_915 : i32 to index
      %swap3A_936 = tpu.vector_load %arg16[%swap3A_935] masked %and3A_930 {strides = array<i32>} : memref<11040xf32, #tpu.memory_space<vmem>>, vector<16xf32>, vector<16xi1>
      tpu.vector_store %arg16[%swap3A_935], %add3A_927 masked %and3A_930 {strides = array<i32>} : memref<11040xf32, #tpu.memory_space<vmem>>, vector<16xf32>, vector<16xi1>
      %convert_element_type3A = arith.extui %and3A_930 : vector<16xi1> to vector<16xi32>
      %reduce_sum3A = arith.constant true
      %reduce_sum3A_937 = vector.broadcast %reduce_sum3A : i1 to vector<16xi1>
      %reduce_sum3A_938 = tpu.scan <sum>, %convert_element_type3A masked %reduce_sum3A_937 : vector<16xi32>, vector<16xi1> -> vector<16xi32>
      %reduce_sum3A_939 = vector.extract %reduce_sum3A_938[15] : i32 from vector<16xi32>
      %add3A_940 = arith.addi %scan3A_915, %reduce_sum3A_939 : i32
      scf.yield %add3A_940 : i32
    }
    %scan3A_36 = arith.constant 625 : i32
    %add3A_37 = arith.constant 0 : i32
    %add3A_38 = vector.broadcast %add3A_37 : i32 to vector<16xi32>
    %add3A_39 = arith.addi %broadcast_in_dim3A_22, %add3A_38 : vector<16xi32>
    %add3A_40 = arith.addi %add3A_39, %iota3A : vector<16xi32>
    %mul3A_41 = arith.muli %add3A_40, %broadcast_in_dim3A_29 : vector<16xi32>
    %add3A_42 = arith.constant 0 : i32
    %add3A_43 = arith.addi %scan3A_35, %add3A_42 : i32
    %swap3A_44 = arith.index_cast %add3A_43 : i32 to index
    %swap3A_45 = tpu.vector_load %arg15[%swap3A_44] {strides = array<i32>} : memref<11040xi32, #tpu.memory_space<vmem>>, vector<16xi32>,
    tpu.vector_store %arg15[%swap3A_44], %mul3A_41 {strides = array<i32>} : memref<11040xi32, #tpu.memory_space<vmem>>, vector<16xi32>,
    %add3A_46 = arith.constant 0 : i32
    %add3A_47 = arith.addi %scan3A_35, %add3A_46 : i32
    %swap3A_48 = arith.index_cast %add3A_47 : i32 to index
    %swap3A_49 = tpu.vector_load %arg16[%swap3A_48] {strides = array<i32>} : memref<11040xf32, #tpu.memory_space<vmem>>, vector<16xf32>,
    tpu.vector_store %arg16[%swap3A_48], %broadcast_in_dim3A_1 {strides = array<i32>} : memref<11040xf32, #tpu.memory_space<vmem>>, vector<16xf32>,
    %add3A_50 = arith.constant 16 : i32
    %add3A_51 = vector.broadcast %add3A_50 : i32 to vector<16xi32>
    %add3A_52 = arith.addi %broadcast_in_dim3A_22, %add3A_51 : vector<16xi32>
    %add3A_53 = arith.addi %add3A_52, %iota3A : vector<16xi32>
    %mul3A_54 = arith.muli %add3A_53, %broadcast_in_dim3A_29 : vector<16xi32>
    %add3A_55 = arith.constant 16 : i32
    %add3A_56 = arith.addi %scan3A_35, %add3A_55 : i32
    %swap3A_57 = arith.index_cast %add3A_56 : i32 to index
    %swap3A_58 = tpu.vector_load %arg15[%swap3A_57] {strides = array<i32>} : memref<11040xi32, #tpu.memory_space<vmem>>, vector<16xi32>,
    tpu.vector_store %arg15[%swap3A_57], %mul3A_54 {strides = array<i32>} : memref<11040xi32, #tpu.memory_space<vmem>>, vector<16xi32>,
    %add3A_59 = arith.constant 16 : i32
    %add3A_60 = arith.addi %scan3A_35, %add3A_59 : i32
    %swap3A_61 = arith.index_cast %add3A_60 : i32 to index
    %swap3A_62 = tpu.vector_load %arg16[%swap3A_61] {strides = array<i32>} : memref<11040xf32, #tpu.memory_space<vmem>>, vector<16xf32>,
    tpu.vector_store %arg16[%swap3A_61], %broadcast_in_dim3A_1 {strides = array<i32>} : memref<11040xf32, #tpu.memory_space<vmem>>, vector<16xf32>,
    %add3A_63 = arith.constant 32 : i32
    %add3A_64 = vector.broadcast %add3A_63 : i32 to vector<16xi32>
    %add3A_65 = arith.addi %broadcast_in_dim3A_22, %add3A_64 : vector<16xi32>
    %add3A_66 = arith.addi %add3A_65, %iota3A : vector<16xi32>
    %mul3A_67 = arith.muli %add3A_66, %broadcast_in_dim3A_29 : vector<16xi32>
    %add3A_68 = arith.constant 32 : i32
    %add3A_69 = arith.addi %scan3A_35, %add3A_68 : i32
    %swap3A_70 = arith.index_cast %add3A_69 : i32 to index
    %swap3A_71 = tpu.vector_load %arg15[%swap3A_70] {strides = array<i32>} : memref<11040xi32, #tpu.memory_space<vmem>>, vector<16xi32>,
    tpu.vector_store %arg15[%swap3A_70], %mul3A_67 {strides = array<i32>} : memref<11040xi32, #tpu.memory_space<vmem>>, vector<16xi32>,
    %add3A_72 = arith.constant 32 : i32
    %add3A_73 = arith.addi %scan3A_35, %add3A_72 : i32
    %swap3A_74 = arith.index_cast %add3A_73 : i32 to index
    %swap3A_75 = tpu.vector_load %arg16[%swap3A_74] {strides = array<i32>} : memref<11040xf32, #tpu.memory_space<vmem>>, vector<16xf32>,
    tpu.vector_store %arg16[%swap3A_74], %broadcast_in_dim3A_1 {strides = array<i32>} : memref<11040xf32, #tpu.memory_space<vmem>>, vector<16xf32>,
    %add3A_76 = arith.constant 48 : i32
    %add3A_77 = vector.broadcast %add3A_76 : i32 to vector<16xi32>
    %add3A_78 = arith.addi %broadcast_in_dim3A_22, %add3A_77 : vector<16xi32>
    %add3A_79 = arith.addi %add3A_78, %iota3A : vector<16xi32>
    %mul3A_80 = arith.muli %add3A_79, %broadcast_in_dim3A_29 : vector<16xi32>
    %add3A_81 = arith.constant 48 : i32
    %add3A_82 = arith.addi %scan3A_35, %add3A_81 : i32
    %swap3A_83 = arith.index_cast %add3A_82 : i32 to index
    %swap3A_84 = tpu.vector_load %arg15[%swap3A_83] {strides = array<i32>} : memref<11040xi32, #tpu.memory_space<vmem>>, vector<16xi32>,
    tpu.vector_store %arg15[%swap3A_83], %mul3A_80 {strides = array<i32>} : memref<11040xi32, #tpu.memory_space<vmem>>, vector<16xi32>,
    %add3A_85 = arith.constant 48 : i32
    %add3A_86 = arith.addi %scan3A_35, %add3A_85 : i32
    %swap3A_87 = arith.index_cast %add3A_86 : i32 to index
    %swap3A_88 = tpu.vector_load %arg16[%swap3A_87] {strides = array<i32>} : memref<11040xf32, #tpu.memory_space<vmem>>, vector<16xf32>,
    tpu.vector_store %arg16[%swap3A_87], %broadcast_in_dim3A_1 {strides = array<i32>} : memref<11040xf32, #tpu.memory_space<vmem>>, vector<16xf32>,
    %add3A_89 = arith.constant 64 : i32
    %add3A_90 = vector.broadcast %add3A_89 : i32 to vector<16xi32>
    %add3A_91 = arith.addi %broadcast_in_dim3A_22, %add3A_90 : vector<16xi32>
    %add3A_92 = arith.addi %add3A_91, %iota3A : vector<16xi32>
    %mul3A_93 = arith.muli %add3A_92, %broadcast_in_dim3A_29 : vector<16xi32>
    %add3A_94 = arith.constant 64 : i32
    %add3A_95 = arith.addi %scan3A_35, %add3A_94 : i32
    %swap3A_96 = arith.index_cast %add3A_95 : i32 to index
    %swap3A_97 = tpu.vector_load %arg15[%swap3A_96] {strides = array<i32>} : memref<11040xi32, #tpu.memory_space<vmem>>, vector<16xi32>,
    tpu.vector_store %arg15[%swap3A_96], %mul3A_93 {strides = array<i32>} : memref<11040xi32, #tpu.memory_space<vmem>>, vector<16xi32>,
    %add3A_98 = arith.constant 64 : i32
    %add3A_99 = arith.addi %scan3A_35, %add3A_98 : i32
    %swap3A_100 = arith.index_cast %add3A_99 : i32 to index
    %swap3A_101 = tpu.vector_load %arg16[%swap3A_100] {strides = array<i32>} : memref<11040xf32, #tpu.memory_space<vmem>>, vector<16xf32>,
    tpu.vector_store %arg16[%swap3A_100], %broadcast_in_dim3A_1 {strides = array<i32>} : memref<11040xf32, #tpu.memory_space<vmem>>, vector<16xf32>,
    %add3A_102 = arith.constant 80 : i32
    %add3A_103 = vector.broadcast %add3A_102 : i32 to vector<16xi32>
    %add3A_104 = arith.addi %broadcast_in_dim3A_22, %add3A_103 : vector<16xi32>
    %add3A_105 = arith.addi %add3A_104, %iota3A : vector<16xi32>
    %mul3A_106 = arith.muli %add3A_105, %broadcast_in_dim3A_29 : vector<16xi32>
    %add3A_107 = arith.constant 80 : i32
    %add3A_108 = arith.addi %scan3A_35, %add3A_107 : i32
    %swap3A_109 = arith.index_cast %add3A_108 : i32 to index
    %swap3A_110 = tpu.vector_load %arg15[%swap3A_109] {strides = array<i32>} : memref<11040xi32, #tpu.memory_space<vmem>>, vector<16xi32>,
    tpu.vector_store %arg15[%swap3A_109], %mul3A_106 {strides = array<i32>} : memref<11040xi32, #tpu.memory_space<vmem>>, vector<16xi32>,
    %add3A_111 = arith.constant 80 : i32
    %add3A_112 = arith.addi %scan3A_35, %add3A_111 : i32
    %swap3A_113 = arith.index_cast %add3A_112 : i32 to index
    %swap3A_114 = tpu.vector_load %arg16[%swap3A_113] {strides = array<i32>} : memref<11040xf32, #tpu.memory_space<vmem>>, vector<16xf32>,
    tpu.vector_store %arg16[%swap3A_113], %broadcast_in_dim3A_1 {strides = array<i32>} : memref<11040xf32, #tpu.memory_space<vmem>>, vector<16xf32>,
    %add3A_115 = arith.constant 96 : i32
    %add3A_116 = vector.broadcast %add3A_115 : i32 to vector<16xi32>
    %add3A_117 = arith.addi %broadcast_in_dim3A_22, %add3A_116 : vector<16xi32>
    %add3A_118 = arith.addi %add3A_117, %iota3A : vector<16xi32>
    %mul3A_119 = arith.muli %add3A_118, %broadcast_in_dim3A_29 : vector<16xi32>
    %add3A_120 = arith.constant 96 : i32
    %add3A_121 = arith.addi %scan3A_35, %add3A_120 : i32
    %swap3A_122 = arith.index_cast %add3A_121 : i32 to index
    %swap3A_123 = tpu.vector_load %arg15[%swap3A_122] {strides = array<i32>} : memref<11040xi32, #tpu.memory_space<vmem>>, vector<16xi32>,
    tpu.vector_store %arg15[%swap3A_122], %mul3A_119 {strides = array<i32>} : memref<11040xi32, #tpu.memory_space<vmem>>, vector<16xi32>,
    %add3A_124 = arith.constant 96 : i32
    %add3A_125 = arith.addi %scan3A_35, %add3A_124 : i32
    %swap3A_126 = arith.index_cast %add3A_125 : i32 to index
    %swap3A_127 = tpu.vector_load %arg16[%swap3A_126] {strides = array<i32>} : memref<11040xf32, #tpu.memory_space<vmem>>, vector<16xf32>,
    tpu.vector_store %arg16[%swap3A_126], %broadcast_in_dim3A_1 {strides = array<i32>} : memref<11040xf32, #tpu.memory_space<vmem>>, vector<16xf32>,
    %add3A_128 = arith.constant 112 : i32
    %add3A_129 = vector.broadcast %add3A_128 : i32 to vector<16xi32>
    %add3A_130 = arith.addi %broadcast_in_dim3A_22, %add3A_129 : vector<16xi32>
    %add3A_131 = arith.addi %add3A_130, %iota3A : vector<16xi32>
    %mul3A_132 = arith.muli %add3A_131, %broadcast_in_dim3A_29 : vector<16xi32>
    %add3A_133 = arith.constant 112 : i32
    %add3A_134 = arith.addi %scan3A_35, %add3A_133 : i32
    %swap3A_135 = arith.index_cast %add3A_134 : i32 to index
    %swap3A_136 = tpu.vector_load %arg15[%swap3A_135] {strides = array<i32>} : memref<11040xi32, #tpu.memory_space<vmem>>, vector<16xi32>,
    tpu.vector_store %arg15[%swap3A_135], %mul3A_132 {strides = array<i32>} : memref<11040xi32, #tpu.memory_space<vmem>>, vector<16xi32>,
    %add3A_137 = arith.constant 112 : i32
    %add3A_138 = arith.addi %scan3A_35, %add3A_137 : i32
    %swap3A_139 = arith.index_cast %add3A_138 : i32 to index
    %swap3A_140 = tpu.vector_load %arg16[%swap3A_139] {strides = array<i32>} : memref<11040xf32, #tpu.memory_space<vmem>>, vector<16xf32>,
    tpu.vector_store %arg16[%swap3A_139], %broadcast_in_dim3A_1 {strides = array<i32>} : memref<11040xf32, #tpu.memory_space<vmem>>, vector<16xf32>,
    %add3A_141 = arith.constant 128 : i32
    %add3A_142 = vector.broadcast %add3A_141 : i32 to vector<16xi32>
    %add3A_143 = arith.addi %broadcast_in_dim3A_22, %add3A_142 : vector<16xi32>
    %add3A_144 = arith.addi %add3A_143, %iota3A : vector<16xi32>
    %mul3A_145 = arith.muli %add3A_144, %broadcast_in_dim3A_29 : vector<16xi32>
    %add3A_146 = arith.constant 128 : i32
    %add3A_147 = arith.addi %scan3A_35, %add3A_146 : i32
    %swap3A_148 = arith.index_cast %add3A_147 : i32 to index
    %swap3A_149 = tpu.vector_load %arg15[%swap3A_148] {strides = array<i32>} : memref<11040xi32, #tpu.memory_space<vmem>>, vector<16xi32>,
    tpu.vector_store %arg15[%swap3A_148], %mul3A_145 {strides = array<i32>} : memref<11040xi32, #tpu.memory_space<vmem>>, vector<16xi32>,
    %add3A_150 = arith.constant 128 : i32
    %add3A_151 = arith.addi %scan3A_35, %add3A_150 : i32
    %swap3A_152 = arith.index_cast %add3A_151 : i32 to index
    %swap3A_153 = tpu.vector_load %arg16[%swap3A_152] {strides = array<i32>} : memref<11040xf32, #tpu.memory_space<vmem>>, vector<16xf32>,
    tpu.vector_store %arg16[%swap3A_152], %broadcast_in_dim3A_1 {strides = array<i32>} : memref<11040xf32, #tpu.memory_space<vmem>>, vector<16xf32>,
    %add3A_154 = arith.constant 144 : i32
    %add3A_155 = vector.broadcast %add3A_154 : i32 to vector<16xi32>
    %add3A_156 = arith.addi %broadcast_in_dim3A_22, %add3A_155 : vector<16xi32>
    %add3A_157 = arith.addi %add3A_156, %iota3A : vector<16xi32>
    %mul3A_158 = arith.muli %add3A_157, %broadcast_in_dim3A_29 : vector<16xi32>
    %add3A_159 = arith.constant 144 : i32
    %add3A_160 = arith.addi %scan3A_35, %add3A_159 : i32
    %swap3A_161 = arith.index_cast %add3A_160 : i32 to index
    %swap3A_162 = tpu.vector_load %arg15[%swap3A_161] {strides = array<i32>} : memref<11040xi32, #tpu.memory_space<vmem>>, vector<16xi32>,
    tpu.vector_store %arg15[%swap3A_161], %mul3A_158 {strides = array<i32>} : memref<11040xi32, #tpu.memory_space<vmem>>, vector<16xi32>,
    %add3A_163 = arith.constant 144 : i32
    %add3A_164 = arith.addi %scan3A_35, %add3A_163 : i32
    %swap3A_165 = arith.index_cast %add3A_164 : i32 to index
    %swap3A_166 = tpu.vector_load %arg16[%swap3A_165] {strides = array<i32>} : memref<11040xf32, #tpu.memory_space<vmem>>, vector<16xf32>,
    tpu.vector_store %arg16[%swap3A_165], %broadcast_in_dim3A_1 {strides = array<i32>} : memref<11040xf32, #tpu.memory_space<vmem>>, vector<16xf32>,
    %add3A_167 = arith.constant 160 : i32
    %add3A_168 = vector.broadcast %add3A_167 : i32 to vector<16xi32>
    %add3A_169 = arith.addi %broadcast_in_dim3A_22, %add3A_168 : vector<16xi32>
    %add3A_170 = arith.addi %add3A_169, %iota3A : vector<16xi32>
    %mul3A_171 = arith.muli %add3A_170, %broadcast_in_dim3A_29 : vector<16xi32>
    %add3A_172 = arith.constant 160 : i32
    %add3A_173 = arith.addi %scan3A_35, %add3A_172 : i32
    %swap3A_174 = arith.index_cast %add3A_173 : i32 to index
    %swap3A_175 = tpu.vector_load %arg15[%swap3A_174] {strides = array<i32>} : memref<11040xi32, #tpu.memory_space<vmem>>, vector<16xi32>,
    tpu.vector_store %arg15[%swap3A_174], %mul3A_171 {strides = array<i32>} : memref<11040xi32, #tpu.memory_space<vmem>>, vector<16xi32>,
    %add3A_176 = arith.constant 160 : i32
    %add3A_177 = arith.addi %scan3A_35, %add3A_176 : i32
    %swap3A_178 = arith.index_cast %add3A_177 : i32 to index
    %swap3A_179 = tpu.vector_load %arg16[%swap3A_178] {strides = array<i32>} : memref<11040xf32, #tpu.memory_space<vmem>>, vector<16xf32>,
    tpu.vector_store %arg16[%swap3A_178], %broadcast_in_dim3A_1 {strides = array<i32>} : memref<11040xf32, #tpu.memory_space<vmem>>, vector<16xf32>,
    %add3A_180 = arith.constant 176 : i32
    %add3A_181 = vector.broadcast %add3A_180 : i32 to vector<16xi32>
    %add3A_182 = arith.addi %broadcast_in_dim3A_22, %add3A_181 : vector<16xi32>
    %add3A_183 = arith.addi %add3A_182, %iota3A : vector<16xi32>
    %mul3A_184 = arith.muli %add3A_183, %broadcast_in_dim3A_29 : vector<16xi32>
    %add3A_185 = arith.constant 176 : i32
    %add3A_186 = arith.addi %scan3A_35, %add3A_185 : i32
    %swap3A_187 = arith.index_cast %add3A_186 : i32 to index
    %swap3A_188 = tpu.vector_load %arg15[%swap3A_187] {strides = array<i32>} : memref<11040xi32, #tpu.memory_space<vmem>>, vector<16xi32>,
    tpu.vector_store %arg15[%swap3A_187], %mul3A_184 {strides = array<i32>} : memref<11040xi32, #tpu.memory_space<vmem>>, vector<16xi32>,
    %add3A_189 = arith.constant 176 : i32
    %add3A_190 = arith.addi %scan3A_35, %add3A_189 : i32
    %swap3A_191 = arith.index_cast %add3A_190 : i32 to index
    %swap3A_192 = tpu.vector_load %arg16[%swap3A_191] {strides = array<i32>} : memref<11040xf32, #tpu.memory_space<vmem>>, vector<16xf32>,
    tpu.vector_store %arg16[%swap3A_191], %broadcast_in_dim3A_1 {strides = array<i32>} : memref<11040xf32, #tpu.memory_space<vmem>>, vector<16xf32>,
    %add3A_193 = arith.constant 192 : i32
    %add3A_194 = vector.broadcast %add3A_193 : i32 to vector<16xi32>
    %add3A_195 = arith.addi %broadcast_in_dim3A_22, %add3A_194 : vector<16xi32>
    %add3A_196 = arith.addi %add3A_195, %iota3A : vector<16xi32>
    %mul3A_197 = arith.muli %add3A_196, %broadcast_in_dim3A_29 : vector<16xi32>
    %add3A_198 = arith.constant 192 : i32
    %add3A_199 = arith.addi %scan3A_35, %add3A_198 : i32
    %swap3A_200 = arith.index_cast %add3A_199 : i32 to index
    %swap3A_201 = tpu.vector_load %arg15[%swap3A_200] {strides = array<i32>} : memref<11040xi32, #tpu.memory_space<vmem>>, vector<16xi32>,
    tpu.vector_store %arg15[%swap3A_200], %mul3A_197 {strides = array<i32>} : memref<11040xi32, #tpu.memory_space<vmem>>, vector<16xi32>,
    %add3A_202 = arith.constant 192 : i32
    %add3A_203 = arith.addi %scan3A_35, %add3A_202 : i32
    %swap3A_204 = arith.index_cast %add3A_203 : i32 to index
    %swap3A_205 = tpu.vector_load %arg16[%swap3A_204] {strides = array<i32>} : memref<11040xf32, #tpu.memory_space<vmem>>, vector<16xf32>,
    tpu.vector_store %arg16[%swap3A_204], %broadcast_in_dim3A_1 {strides = array<i32>} : memref<11040xf32, #tpu.memory_space<vmem>>, vector<16xf32>,
    %add3A_206 = arith.constant 208 : i32
    %add3A_207 = vector.broadcast %add3A_206 : i32 to vector<16xi32>
    %add3A_208 = arith.addi %broadcast_in_dim3A_22, %add3A_207 : vector<16xi32>
    %add3A_209 = arith.addi %add3A_208, %iota3A : vector<16xi32>
    %mul3A_210 = arith.muli %add3A_209, %broadcast_in_dim3A_29 : vector<16xi32>
    %add3A_211 = arith.constant 208 : i32
    %add3A_212 = arith.addi %scan3A_35, %add3A_211 : i32
    %swap3A_213 = arith.index_cast %add3A_212 : i32 to index
    %swap3A_214 = tpu.vector_load %arg15[%swap3A_213] {strides = array<i32>} : memref<11040xi32, #tpu.memory_space<vmem>>, vector<16xi32>,
    tpu.vector_store %arg15[%swap3A_213], %mul3A_210 {strides = array<i32>} : memref<11040xi32, #tpu.memory_space<vmem>>, vector<16xi32>,
    %add3A_215 = arith.constant 208 : i32
    %add3A_216 = arith.addi %scan3A_35, %add3A_215 : i32
    %swap3A_217 = arith.index_cast %add3A_216 : i32 to index
    %swap3A_218 = tpu.vector_load %arg16[%swap3A_217] {strides = array<i32>} : memref<11040xf32, #tpu.memory_space<vmem>>, vector<16xf32>,
    tpu.vector_store %arg16[%swap3A_217], %broadcast_in_dim3A_1 {strides = array<i32>} : memref<11040xf32, #tpu.memory_space<vmem>>, vector<16xf32>,
    %add3A_219 = arith.constant 224 : i32
    %add3A_220 = vector.broadcast %add3A_219 : i32 to vector<16xi32>
    %add3A_221 = arith.addi %broadcast_in_dim3A_22, %add3A_220 : vector<16xi32>
    %add3A_222 = arith.addi %add3A_221, %iota3A : vector<16xi32>
    %mul3A_223 = arith.muli %add3A_222, %broadcast_in_dim3A_29 : vector<16xi32>
    %add3A_224 = arith.constant 224 : i32
    %add3A_225 = arith.addi %scan3A_35, %add3A_224 : i32
    %swap3A_226 = arith.index_cast %add3A_225 : i32 to index
    %swap3A_227 = tpu.vector_load %arg15[%swap3A_226] {strides = array<i32>} : memref<11040xi32, #tpu.memory_space<vmem>>, vector<16xi32>,
    tpu.vector_store %arg15[%swap3A_226], %mul3A_223 {strides = array<i32>} : memref<11040xi32, #tpu.memory_space<vmem>>, vector<16xi32>,
    %add3A_228 = arith.constant 224 : i32
    %add3A_229 = arith.addi %scan3A_35, %add3A_228 : i32
    %swap3A_230 = arith.index_cast %add3A_229 : i32 to index
    %swap3A_231 = tpu.vector_load %arg16[%swap3A_230] {strides = array<i32>} : memref<11040xf32, #tpu.memory_space<vmem>>, vector<16xf32>,
    tpu.vector_store %arg16[%swap3A_230], %broadcast_in_dim3A_1 {strides = array<i32>} : memref<11040xf32, #tpu.memory_space<vmem>>, vector<16xf32>,
    %add3A_232 = arith.constant 240 : i32
    %add3A_233 = vector.broadcast %add3A_232 : i32 to vector<16xi32>
    %add3A_234 = arith.addi %broadcast_in_dim3A_22, %add3A_233 : vector<16xi32>
    %add3A_235 = arith.addi %add3A_234, %iota3A : vector<16xi32>
    %mul3A_236 = arith.muli %add3A_235, %broadcast_in_dim3A_29 : vector<16xi32>
    %add3A_237 = arith.constant 240 : i32
    %add3A_238 = arith.addi %scan3A_35, %add3A_237 : i32
    %swap3A_239 = arith.index_cast %add3A_238 : i32 to index
    %swap3A_240 = tpu.vector_load %arg15[%swap3A_239] {strides = array<i32>} : memref<11040xi32, #tpu.memory_space<vmem>>, vector<16xi32>,
    tpu.vector_store %arg15[%swap3A_239], %mul3A_236 {strides = array<i32>} : memref<11040xi32, #tpu.memory_space<vmem>>, vector<16xi32>,
    %add3A_241 = arith.constant 240 : i32
    %add3A_242 = arith.addi %scan3A_35, %add3A_241 : i32
    %swap3A_243 = arith.index_cast %add3A_242 : i32 to index
    %swap3A_244 = tpu.vector_load %arg16[%swap3A_243] {strides = array<i32>} : memref<11040xf32, #tpu.memory_space<vmem>>, vector<16xf32>,
    tpu.vector_store %arg16[%swap3A_243], %broadcast_in_dim3A_1 {strides = array<i32>} : memref<11040xf32, #tpu.memory_space<vmem>>, vector<16xf32>,
    %add3A_245 = arith.constant 256 : i32
    %add3A_246 = vector.broadcast %add3A_245 : i32 to vector<16xi32>
    %add3A_247 = arith.addi %broadcast_in_dim3A_22, %add3A_246 : vector<16xi32>
    %add3A_248 = arith.addi %add3A_247, %iota3A : vector<16xi32>
    %mul3A_249 = arith.muli %add3A_248, %broadcast_in_dim3A_29 : vector<16xi32>
    %add3A_250 = arith.constant 256 : i32
    %add3A_251 = arith.addi %scan3A_35, %add3A_250 : i32
    %swap3A_252 = arith.index_cast %add3A_251 : i32 to index
    %swap3A_253 = tpu.vector_load %arg15[%swap3A_252] {strides = array<i32>} : memref<11040xi32, #tpu.memory_space<vmem>>, vector<16xi32>,
    tpu.vector_store %arg15[%swap3A_252], %mul3A_249 {strides = array<i32>} : memref<11040xi32, #tpu.memory_space<vmem>>, vector<16xi32>,
    %add3A_254 = arith.constant 256 : i32
    %add3A_255 = arith.addi %scan3A_35, %add3A_254 : i32
    %swap3A_256 = arith.index_cast %add3A_255 : i32 to index
    %swap3A_257 = tpu.vector_load %arg16[%swap3A_256] {strides = array<i32>} : memref<11040xf32, #tpu.memory_space<vmem>>, vector<16xf32>,
    tpu.vector_store %arg16[%swap3A_256], %broadcast_in_dim3A_1 {strides = array<i32>} : memref<11040xf32, #tpu.memory_space<vmem>>, vector<16xf32>,
    %add3A_258 = arith.constant 272 : i32
    %add3A_259 = vector.broadcast %add3A_258 : i32 to vector<16xi32>
    %add3A_260 = arith.addi %broadcast_in_dim3A_22, %add3A_259 : vector<16xi32>
    %add3A_261 = arith.addi %add3A_260, %iota3A : vector<16xi32>
    %mul3A_262 = arith.muli %add3A_261, %broadcast_in_dim3A_29 : vector<16xi32>
    %add3A_263 = arith.constant 272 : i32
    %add3A_264 = arith.addi %scan3A_35, %add3A_263 : i32
    %swap3A_265 = arith.index_cast %add3A_264 : i32 to index
    %swap3A_266 = tpu.vector_load %arg15[%swap3A_265] {strides = array<i32>} : memref<11040xi32, #tpu.memory_space<vmem>>, vector<16xi32>,
    tpu.vector_store %arg15[%swap3A_265], %mul3A_262 {strides = array<i32>} : memref<11040xi32, #tpu.memory_space<vmem>>, vector<16xi32>,
    %add3A_267 = arith.constant 272 : i32
    %add3A_268 = arith.addi %scan3A_35, %add3A_267 : i32
    %swap3A_269 = arith.index_cast %add3A_268 : i32 to index
    %swap3A_270 = tpu.vector_load %arg16[%swap3A_269] {strides = array<i32>} : memref<11040xf32, #tpu.memory_space<vmem>>, vector<16xf32>,
    tpu.vector_store %arg16[%swap3A_269], %broadcast_in_dim3A_1 {strides = array<i32>} : memref<11040xf32, #tpu.memory_space<vmem>>, vector<16xf32>,
    %add3A_271 = arith.constant 288 : i32
    %add3A_272 = vector.broadcast %add3A_271 : i32 to vector<16xi32>
    %add3A_273 = arith.addi %broadcast_in_dim3A_22, %add3A_272 : vector<16xi32>
    %add3A_274 = arith.addi %add3A_273, %iota3A : vector<16xi32>
    %mul3A_275 = arith.muli %add3A_274, %broadcast_in_dim3A_29 : vector<16xi32>
    %add3A_276 = arith.constant 288 : i32
    %add3A_277 = arith.addi %scan3A_35, %add3A_276 : i32
    %swap3A_278 = arith.index_cast %add3A_277 : i32 to index
    %swap3A_279 = tpu.vector_load %arg15[%swap3A_278] {strides = array<i32>} : memref<11040xi32, #tpu.memory_space<vmem>>, vector<16xi32>,
    tpu.vector_store %arg15[%swap3A_278], %mul3A_275 {strides = array<i32>} : memref<11040xi32, #tpu.memory_space<vmem>>, vector<16xi32>,
    %add3A_280 = arith.constant 288 : i32
    %add3A_281 = arith.addi %scan3A_35, %add3A_280 : i32
    %swap3A_282 = arith.index_cast %add3A_281 : i32 to index
    %swap3A_283 = tpu.vector_load %arg16[%swap3A_282] {strides = array<i32>} : memref<11040xf32, #tpu.memory_space<vmem>>, vector<16xf32>,
    tpu.vector_store %arg16[%swap3A_282], %broadcast_in_dim3A_1 {strides = array<i32>} : memref<11040xf32, #tpu.memory_space<vmem>>, vector<16xf32>,
    %add3A_284 = arith.constant 304 : i32
    %add3A_285 = vector.broadcast %add3A_284 : i32 to vector<16xi32>
    %add3A_286 = arith.addi %broadcast_in_dim3A_22, %add3A_285 : vector<16xi32>
    %add3A_287 = arith.addi %add3A_286, %iota3A : vector<16xi32>
    %mul3A_288 = arith.muli %add3A_287, %broadcast_in_dim3A_29 : vector<16xi32>
    %add3A_289 = arith.constant 304 : i32
    %add3A_290 = arith.addi %scan3A_35, %add3A_289 : i32
    %swap3A_291 = arith.index_cast %add3A_290 : i32 to index
    %swap3A_292 = tpu.vector_load %arg15[%swap3A_291] {strides = array<i32>} : memref<11040xi32, #tpu.memory_space<vmem>>, vector<16xi32>,
    tpu.vector_store %arg15[%swap3A_291], %mul3A_288 {strides = array<i32>} : memref<11040xi32, #tpu.memory_space<vmem>>, vector<16xi32>,
    %add3A_293 = arith.constant 304 : i32
    %add3A_294 = arith.addi %scan3A_35, %add3A_293 : i32
    %swap3A_295 = arith.index_cast %add3A_294 : i32 to index
    %swap3A_296 = tpu.vector_load %arg16[%swap3A_295] {strides = array<i32>} : memref<11040xf32, #tpu.memory_space<vmem>>, vector<16xf32>,
    tpu.vector_store %arg16[%swap3A_295], %broadcast_in_dim3A_1 {strides = array<i32>} : memref<11040xf32, #tpu.memory_space<vmem>>, vector<16xf32>,
    %add3A_297 = arith.constant 320 : i32
    %add3A_298 = vector.broadcast %add3A_297 : i32 to vector<16xi32>
    %add3A_299 = arith.addi %broadcast_in_dim3A_22, %add3A_298 : vector<16xi32>
    %add3A_300 = arith.addi %add3A_299, %iota3A : vector<16xi32>
    %mul3A_301 = arith.muli %add3A_300, %broadcast_in_dim3A_29 : vector<16xi32>
    %add3A_302 = arith.constant 320 : i32
    %add3A_303 = arith.addi %scan3A_35, %add3A_302 : i32
    %swap3A_304 = arith.index_cast %add3A_303 : i32 to index
    %swap3A_305 = tpu.vector_load %arg15[%swap3A_304] {strides = array<i32>} : memref<11040xi32, #tpu.memory_space<vmem>>, vector<16xi32>,
    tpu.vector_store %arg15[%swap3A_304], %mul3A_301 {strides = array<i32>} : memref<11040xi32, #tpu.memory_space<vmem>>, vector<16xi32>,
    %add3A_306 = arith.constant 320 : i32
    %add3A_307 = arith.addi %scan3A_35, %add3A_306 : i32
    %swap3A_308 = arith.index_cast %add3A_307 : i32 to index
    %swap3A_309 = tpu.vector_load %arg16[%swap3A_308] {strides = array<i32>} : memref<11040xf32, #tpu.memory_space<vmem>>, vector<16xf32>,
    tpu.vector_store %arg16[%swap3A_308], %broadcast_in_dim3A_1 {strides = array<i32>} : memref<11040xf32, #tpu.memory_space<vmem>>, vector<16xf32>,
    %add3A_310 = arith.constant 336 : i32
    %add3A_311 = vector.broadcast %add3A_310 : i32 to vector<16xi32>
    %add3A_312 = arith.addi %broadcast_in_dim3A_22, %add3A_311 : vector<16xi32>
    %add3A_313 = arith.addi %add3A_312, %iota3A : vector<16xi32>
    %mul3A_314 = arith.muli %add3A_313, %broadcast_in_dim3A_29 : vector<16xi32>
    %add3A_315 = arith.constant 336 : i32
    %add3A_316 = arith.addi %scan3A_35, %add3A_315 : i32
    %swap3A_317 = arith.index_cast %add3A_316 : i32 to index
    %swap3A_318 = tpu.vector_load %arg15[%swap3A_317] {strides = array<i32>} : memref<11040xi32, #tpu.memory_space<vmem>>, vector<16xi32>,
    tpu.vector_store %arg15[%swap3A_317], %mul3A_314 {strides = array<i32>} : memref<11040xi32, #tpu.memory_space<vmem>>, vector<16xi32>,
    %add3A_319 = arith.constant 336 : i32
    %add3A_320 = arith.addi %scan3A_35, %add3A_319 : i32
    %swap3A_321 = arith.index_cast %add3A_320 : i32 to index
    %swap3A_322 = tpu.vector_load %arg16[%swap3A_321] {strides = array<i32>} : memref<11040xf32, #tpu.memory_space<vmem>>, vector<16xf32>,
    tpu.vector_store %arg16[%swap3A_321], %broadcast_in_dim3A_1 {strides = array<i32>} : memref<11040xf32, #tpu.memory_space<vmem>>, vector<16xf32>,
    %add3A_323 = arith.constant 352 : i32
    %add3A_324 = vector.broadcast %add3A_323 : i32 to vector<16xi32>
    %add3A_325 = arith.addi %broadcast_in_dim3A_22, %add3A_324 : vector<16xi32>
    %add3A_326 = arith.addi %add3A_325, %iota3A : vector<16xi32>
    %mul3A_327 = arith.muli %add3A_326, %broadcast_in_dim3A_29 : vector<16xi32>
    %add3A_328 = arith.constant 352 : i32
    %add3A_329 = arith.addi %scan3A_35, %add3A_328 : i32
    %swap3A_330 = arith.index_cast %add3A_329 : i32 to index
    %swap3A_331 = tpu.vector_load %arg15[%swap3A_330] {strides = array<i32>} : memref<11040xi32, #tpu.memory_space<vmem>>, vector<16xi32>,
    tpu.vector_store %arg15[%swap3A_330], %mul3A_327 {strides = array<i32>} : memref<11040xi32, #tpu.memory_space<vmem>>, vector<16xi32>,
    %add3A_332 = arith.constant 352 : i32
    %add3A_333 = arith.addi %scan3A_35, %add3A_332 : i32
    %swap3A_334 = arith.index_cast %add3A_333 : i32 to index
    %swap3A_335 = tpu.vector_load %arg16[%swap3A_334] {strides = array<i32>} : memref<11040xf32, #tpu.memory_space<vmem>>, vector<16xf32>,
    tpu.vector_store %arg16[%swap3A_334], %broadcast_in_dim3A_1 {strides = array<i32>} : memref<11040xf32, #tpu.memory_space<vmem>>, vector<16xf32>,
    %add3A_336 = arith.constant 368 : i32
    %add3A_337 = vector.broadcast %add3A_336 : i32 to vector<16xi32>
    %add3A_338 = arith.addi %broadcast_in_dim3A_22, %add3A_337 : vector<16xi32>
    %add3A_339 = arith.addi %add3A_338, %iota3A : vector<16xi32>
    %mul3A_340 = arith.muli %add3A_339, %broadcast_in_dim3A_29 : vector<16xi32>
    %add3A_341 = arith.constant 368 : i32
    %add3A_342 = arith.addi %scan3A_35, %add3A_341 : i32
    %swap3A_343 = arith.index_cast %add3A_342 : i32 to index
    %swap3A_344 = tpu.vector_load %arg15[%swap3A_343] {strides = array<i32>} : memref<11040xi32, #tpu.memory_space<vmem>>, vector<16xi32>,
    tpu.vector_store %arg15[%swap3A_343], %mul3A_340 {strides = array<i32>} : memref<11040xi32, #tpu.memory_space<vmem>>, vector<16xi32>,
    %add3A_345 = arith.constant 368 : i32
    %add3A_346 = arith.addi %scan3A_35, %add3A_345 : i32
    %swap3A_347 = arith.index_cast %add3A_346 : i32 to index
    %swap3A_348 = tpu.vector_load %arg16[%swap3A_347] {strides = array<i32>} : memref<11040xf32, #tpu.memory_space<vmem>>, vector<16xf32>,
    tpu.vector_store %arg16[%swap3A_347], %broadcast_in_dim3A_1 {strides = array<i32>} : memref<11040xf32, #tpu.memory_space<vmem>>, vector<16xf32>,
    %add3A_349 = arith.constant 384 : i32
    %add3A_350 = vector.broadcast %add3A_349 : i32 to vector<16xi32>
    %add3A_351 = arith.addi %broadcast_in_dim3A_22, %add3A_350 : vector<16xi32>
    %add3A_352 = arith.addi %add3A_351, %iota3A : vector<16xi32>
    %mul3A_353 = arith.muli %add3A_352, %broadcast_in_dim3A_29 : vector<16xi32>
    %add3A_354 = arith.constant 384 : i32
    %add3A_355 = arith.addi %scan3A_35, %add3A_354 : i32
    %swap3A_356 = arith.index_cast %add3A_355 : i32 to index
    %swap3A_357 = tpu.vector_load %arg15[%swap3A_356] {strides = array<i32>} : memref<11040xi32, #tpu.memory_space<vmem>>, vector<16xi32>,
    tpu.vector_store %arg15[%swap3A_356], %mul3A_353 {strides = array<i32>} : memref<11040xi32, #tpu.memory_space<vmem>>, vector<16xi32>,
    %add3A_358 = arith.constant 384 : i32
    %add3A_359 = arith.addi %scan3A_35, %add3A_358 : i32
    %swap3A_360 = arith.index_cast %add3A_359 : i32 to index
    %swap3A_361 = tpu.vector_load %arg16[%swap3A_360] {strides = array<i32>} : memref<11040xf32, #tpu.memory_space<vmem>>, vector<16xf32>,
    tpu.vector_store %arg16[%swap3A_360], %broadcast_in_dim3A_1 {strides = array<i32>} : memref<11040xf32, #tpu.memory_space<vmem>>, vector<16xf32>,
    %add3A_362 = arith.constant 400 : i32
    %add3A_363 = vector.broadcast %add3A_362 : i32 to vector<16xi32>
    %add3A_364 = arith.addi %broadcast_in_dim3A_22, %add3A_363 : vector<16xi32>
    %add3A_365 = arith.addi %add3A_364, %iota3A : vector<16xi32>
    %mul3A_366 = arith.muli %add3A_365, %broadcast_in_dim3A_29 : vector<16xi32>
    %add3A_367 = arith.constant 400 : i32
    %add3A_368 = arith.addi %scan3A_35, %add3A_367 : i32
    %swap3A_369 = arith.index_cast %add3A_368 : i32 to index
    %swap3A_370 = tpu.vector_load %arg15[%swap3A_369] {strides = array<i32>} : memref<11040xi32, #tpu.memory_space<vmem>>, vector<16xi32>,
    tpu.vector_store %arg15[%swap3A_369], %mul3A_366 {strides = array<i32>} : memref<11040xi32, #tpu.memory_space<vmem>>, vector<16xi32>,
    %add3A_371 = arith.constant 400 : i32
    %add3A_372 = arith.addi %scan3A_35, %add3A_371 : i32
    %swap3A_373 = arith.index_cast %add3A_372 : i32 to index
    %swap3A_374 = tpu.vector_load %arg16[%swap3A_373] {strides = array<i32>} : memref<11040xf32, #tpu.memory_space<vmem>>, vector<16xf32>,
    tpu.vector_store %arg16[%swap3A_373], %broadcast_in_dim3A_1 {strides = array<i32>} : memref<11040xf32, #tpu.memory_space<vmem>>, vector<16xf32>,
    %add3A_375 = arith.constant 416 : i32
    %add3A_376 = vector.broadcast %add3A_375 : i32 to vector<16xi32>
    %add3A_377 = arith.addi %broadcast_in_dim3A_22, %add3A_376 : vector<16xi32>
    %add3A_378 = arith.addi %add3A_377, %iota3A : vector<16xi32>
    %mul3A_379 = arith.muli %add3A_378, %broadcast_in_dim3A_29 : vector<16xi32>
    %add3A_380 = arith.constant 416 : i32
    %add3A_381 = arith.addi %scan3A_35, %add3A_380 : i32
    %swap3A_382 = arith.index_cast %add3A_381 : i32 to index
    %swap3A_383 = tpu.vector_load %arg15[%swap3A_382] {strides = array<i32>} : memref<11040xi32, #tpu.memory_space<vmem>>, vector<16xi32>,
    tpu.vector_store %arg15[%swap3A_382], %mul3A_379 {strides = array<i32>} : memref<11040xi32, #tpu.memory_space<vmem>>, vector<16xi32>,
    %add3A_384 = arith.constant 416 : i32
    %add3A_385 = arith.addi %scan3A_35, %add3A_384 : i32
    %swap3A_386 = arith.index_cast %add3A_385 : i32 to index
    %swap3A_387 = tpu.vector_load %arg16[%swap3A_386] {strides = array<i32>} : memref<11040xf32, #tpu.memory_space<vmem>>, vector<16xf32>,
    tpu.vector_store %arg16[%swap3A_386], %broadcast_in_dim3A_1 {strides = array<i32>} : memref<11040xf32, #tpu.memory_space<vmem>>, vector<16xf32>,
    %add3A_388 = arith.constant 432 : i32
    %add3A_389 = vector.broadcast %add3A_388 : i32 to vector<16xi32>
    %add3A_390 = arith.addi %broadcast_in_dim3A_22, %add3A_389 : vector<16xi32>
    %add3A_391 = arith.addi %add3A_390, %iota3A : vector<16xi32>
    %mul3A_392 = arith.muli %add3A_391, %broadcast_in_dim3A_29 : vector<16xi32>
    %add3A_393 = arith.constant 432 : i32
    %add3A_394 = arith.addi %scan3A_35, %add3A_393 : i32
    %swap3A_395 = arith.index_cast %add3A_394 : i32 to index
    %swap3A_396 = tpu.vector_load %arg15[%swap3A_395] {strides = array<i32>} : memref<11040xi32, #tpu.memory_space<vmem>>, vector<16xi32>,
    tpu.vector_store %arg15[%swap3A_395], %mul3A_392 {strides = array<i32>} : memref<11040xi32, #tpu.memory_space<vmem>>, vector<16xi32>,
    %add3A_397 = arith.constant 432 : i32
    %add3A_398 = arith.addi %scan3A_35, %add3A_397 : i32
    %swap3A_399 = arith.index_cast %add3A_398 : i32 to index
    %swap3A_400 = tpu.vector_load %arg16[%swap3A_399] {strides = array<i32>} : memref<11040xf32, #tpu.memory_space<vmem>>, vector<16xf32>,
    tpu.vector_store %arg16[%swap3A_399], %broadcast_in_dim3A_1 {strides = array<i32>} : memref<11040xf32, #tpu.memory_space<vmem>>, vector<16xf32>,
    %add3A_401 = arith.constant 448 : i32
    %add3A_402 = vector.broadcast %add3A_401 : i32 to vector<16xi32>
    %add3A_403 = arith.addi %broadcast_in_dim3A_22, %add3A_402 : vector<16xi32>
    %add3A_404 = arith.addi %add3A_403, %iota3A : vector<16xi32>
    %mul3A_405 = arith.muli %add3A_404, %broadcast_in_dim3A_29 : vector<16xi32>
    %add3A_406 = arith.constant 448 : i32
    %add3A_407 = arith.addi %scan3A_35, %add3A_406 : i32
    %swap3A_408 = arith.index_cast %add3A_407 : i32 to index
    %swap3A_409 = tpu.vector_load %arg15[%swap3A_408] {strides = array<i32>} : memref<11040xi32, #tpu.memory_space<vmem>>, vector<16xi32>,
    tpu.vector_store %arg15[%swap3A_408], %mul3A_405 {strides = array<i32>} : memref<11040xi32, #tpu.memory_space<vmem>>, vector<16xi32>,
    %add3A_410 = arith.constant 448 : i32
    %add3A_411 = arith.addi %scan3A_35, %add3A_410 : i32
    %swap3A_412 = arith.index_cast %add3A_411 : i32 to index
    %swap3A_413 = tpu.vector_load %arg16[%swap3A_412] {strides = array<i32>} : memref<11040xf32, #tpu.memory_space<vmem>>, vector<16xf32>,
    tpu.vector_store %arg16[%swap3A_412], %broadcast_in_dim3A_1 {strides = array<i32>} : memref<11040xf32, #tpu.memory_space<vmem>>, vector<16xf32>,
    %add3A_414 = arith.constant 464 : i32
    %add3A_415 = vector.broadcast %add3A_414 : i32 to vector<16xi32>
    %add3A_416 = arith.addi %broadcast_in_dim3A_22, %add3A_415 : vector<16xi32>
    %add3A_417 = arith.addi %add3A_416, %iota3A : vector<16xi32>
    %mul3A_418 = arith.muli %add3A_417, %broadcast_in_dim3A_29 : vector<16xi32>
    %add3A_419 = arith.constant 464 : i32
    %add3A_420 = arith.addi %scan3A_35, %add3A_419 : i32
    %swap3A_421 = arith.index_cast %add3A_420 : i32 to index
    %swap3A_422 = tpu.vector_load %arg15[%swap3A_421] {strides = array<i32>} : memref<11040xi32, #tpu.memory_space<vmem>>, vector<16xi32>,
    tpu.vector_store %arg15[%swap3A_421], %mul3A_418 {strides = array<i32>} : memref<11040xi32, #tpu.memory_space<vmem>>, vector<16xi32>,
    %add3A_423 = arith.constant 464 : i32
    %add3A_424 = arith.addi %scan3A_35, %add3A_423 : i32
    %swap3A_425 = arith.index_cast %add3A_424 : i32 to index
    %swap3A_426 = tpu.vector_load %arg16[%swap3A_425] {strides = array<i32>} : memref<11040xf32, #tpu.memory_space<vmem>>, vector<16xf32>,
    tpu.vector_store %arg16[%swap3A_425], %broadcast_in_dim3A_1 {strides = array<i32>} : memref<11040xf32, #tpu.memory_space<vmem>>, vector<16xf32>,
    %add3A_427 = arith.constant 480 : i32
    %add3A_428 = vector.broadcast %add3A_427 : i32 to vector<16xi32>
    %add3A_429 = arith.addi %broadcast_in_dim3A_22, %add3A_428 : vector<16xi32>
    %add3A_430 = arith.addi %add3A_429, %iota3A : vector<16xi32>
    %mul3A_431 = arith.muli %add3A_430, %broadcast_in_dim3A_29 : vector<16xi32>
    %add3A_432 = arith.constant 480 : i32
    %add3A_433 = arith.addi %scan3A_35, %add3A_432 : i32
    %swap3A_434 = arith.index_cast %add3A_433 : i32 to index
    %swap3A_435 = tpu.vector_load %arg15[%swap3A_434] {strides = array<i32>} : memref<11040xi32, #tpu.memory_space<vmem>>, vector<16xi32>,
    tpu.vector_store %arg15[%swap3A_434], %mul3A_431 {strides = array<i32>} : memref<11040xi32, #tpu.memory_space<vmem>>, vector<16xi32>,
    %add3A_436 = arith.constant 480 : i32
    %add3A_437 = arith.addi %scan3A_35, %add3A_436 : i32
    %swap3A_438 = arith.index_cast %add3A_437 : i32 to index
    %swap3A_439 = tpu.vector_load %arg16[%swap3A_438] {strides = array<i32>} : memref<11040xf32, #tpu.memory_space<vmem>>, vector<16xf32>,
    tpu.vector_store %arg16[%swap3A_438], %broadcast_in_dim3A_1 {strides = array<i32>} : memref<11040xf32, #tpu.memory_space<vmem>>, vector<16xf32>,
    %add3A_440 = arith.constant 496 : i32
    %add3A_441 = vector.broadcast %add3A_440 : i32 to vector<16xi32>
    %add3A_442 = arith.addi %broadcast_in_dim3A_22, %add3A_441 : vector<16xi32>
    %add3A_443 = arith.addi %add3A_442, %iota3A : vector<16xi32>
    %mul3A_444 = arith.muli %add3A_443, %broadcast_in_dim3A_29 : vector<16xi32>
    %add3A_445 = arith.constant 496 : i32
    %add3A_446 = arith.addi %scan3A_35, %add3A_445 : i32
    %swap3A_447 = arith.index_cast %add3A_446 : i32 to index
    %swap3A_448 = tpu.vector_load %arg15[%swap3A_447] {strides = array<i32>} : memref<11040xi32, #tpu.memory_space<vmem>>, vector<16xi32>,
    tpu.vector_store %arg15[%swap3A_447], %mul3A_444 {strides = array<i32>} : memref<11040xi32, #tpu.memory_space<vmem>>, vector<16xi32>,
    %add3A_449 = arith.constant 496 : i32
    %add3A_450 = arith.addi %scan3A_35, %add3A_449 : i32
    %swap3A_451 = arith.index_cast %add3A_450 : i32 to index
    %swap3A_452 = tpu.vector_load %arg16[%swap3A_451] {strides = array<i32>} : memref<11040xf32, #tpu.memory_space<vmem>>, vector<16xf32>,
    tpu.vector_store %arg16[%swap3A_451], %broadcast_in_dim3A_1 {strides = array<i32>} : memref<11040xf32, #tpu.memory_space<vmem>>, vector<16xf32>,
    %add3A_453 = arith.constant 512 : i32
    %add3A_454 = vector.broadcast %add3A_453 : i32 to vector<16xi32>
    %add3A_455 = arith.addi %broadcast_in_dim3A_22, %add3A_454 : vector<16xi32>
    %add3A_456 = arith.addi %add3A_455, %iota3A : vector<16xi32>
    %mul3A_457 = arith.muli %add3A_456, %broadcast_in_dim3A_29 : vector<16xi32>
    %add3A_458 = arith.constant 512 : i32
    %add3A_459 = arith.addi %scan3A_35, %add3A_458 : i32
    %swap3A_460 = arith.index_cast %add3A_459 : i32 to index
    %swap3A_461 = tpu.vector_load %arg15[%swap3A_460] {strides = array<i32>} : memref<11040xi32, #tpu.memory_space<vmem>>, vector<16xi32>,
    tpu.vector_store %arg15[%swap3A_460], %mul3A_457 {strides = array<i32>} : memref<11040xi32, #tpu.memory_space<vmem>>, vector<16xi32>,
    %add3A_462 = arith.constant 512 : i32
    %add3A_463 = arith.addi %scan3A_35, %add3A_462 : i32
    %swap3A_464 = arith.index_cast %add3A_463 : i32 to index
    %swap3A_465 = tpu.vector_load %arg16[%swap3A_464] {strides = array<i32>} : memref<11040xf32, #tpu.memory_space<vmem>>, vector<16xf32>,
    tpu.vector_store %arg16[%swap3A_464], %broadcast_in_dim3A_1 {strides = array<i32>} : memref<11040xf32, #tpu.memory_space<vmem>>, vector<16xf32>,
    %add3A_466 = arith.constant 528 : i32
    %add3A_467 = vector.broadcast %add3A_466 : i32 to vector<16xi32>
    %add3A_468 = arith.addi %broadcast_in_dim3A_22, %add3A_467 : vector<16xi32>
    %add3A_469 = arith.addi %add3A_468, %iota3A : vector<16xi32>
    %mul3A_470 = arith.muli %add3A_469, %broadcast_in_dim3A_29 : vector<16xi32>
    %add3A_471 = arith.constant 528 : i32
    %add3A_472 = arith.addi %scan3A_35, %add3A_471 : i32
    %swap3A_473 = arith.index_cast %add3A_472 : i32 to index
    %swap3A_474 = tpu.vector_load %arg15[%swap3A_473] {strides = array<i32>} : memref<11040xi32, #tpu.memory_space<vmem>>, vector<16xi32>,
    tpu.vector_store %arg15[%swap3A_473], %mul3A_470 {strides = array<i32>} : memref<11040xi32, #tpu.memory_space<vmem>>, vector<16xi32>,
    %add3A_475 = arith.constant 528 : i32
    %add3A_476 = arith.addi %scan3A_35, %add3A_475 : i32
    %swap3A_477 = arith.index_cast %add3A_476 : i32 to index
    %swap3A_478 = tpu.vector_load %arg16[%swap3A_477] {strides = array<i32>} : memref<11040xf32, #tpu.memory_space<vmem>>, vector<16xf32>,
    tpu.vector_store %arg16[%swap3A_477], %broadcast_in_dim3A_1 {strides = array<i32>} : memref<11040xf32, #tpu.memory_space<vmem>>, vector<16xf32>,
    %add3A_479 = arith.constant 544 : i32
    %add3A_480 = vector.broadcast %add3A_479 : i32 to vector<16xi32>
    %add3A_481 = arith.addi %broadcast_in_dim3A_22, %add3A_480 : vector<16xi32>
    %add3A_482 = arith.addi %add3A_481, %iota3A : vector<16xi32>
    %mul3A_483 = arith.muli %add3A_482, %broadcast_in_dim3A_29 : vector<16xi32>
    %add3A_484 = arith.constant 544 : i32
    %add3A_485 = arith.addi %scan3A_35, %add3A_484 : i32
    %swap3A_486 = arith.index_cast %add3A_485 : i32 to index
    %swap3A_487 = tpu.vector_load %arg15[%swap3A_486] {strides = array<i32>} : memref<11040xi32, #tpu.memory_space<vmem>>, vector<16xi32>,
    tpu.vector_store %arg15[%swap3A_486], %mul3A_483 {strides = array<i32>} : memref<11040xi32, #tpu.memory_space<vmem>>, vector<16xi32>,
    %add3A_488 = arith.constant 544 : i32
    %add3A_489 = arith.addi %scan3A_35, %add3A_488 : i32
    %swap3A_490 = arith.index_cast %add3A_489 : i32 to index
    %swap3A_491 = tpu.vector_load %arg16[%swap3A_490] {strides = array<i32>} : memref<11040xf32, #tpu.memory_space<vmem>>, vector<16xf32>,
    tpu.vector_store %arg16[%swap3A_490], %broadcast_in_dim3A_1 {strides = array<i32>} : memref<11040xf32, #tpu.memory_space<vmem>>, vector<16xf32>,
    %add3A_492 = arith.constant 560 : i32
    %add3A_493 = vector.broadcast %add3A_492 : i32 to vector<16xi32>
    %add3A_494 = arith.addi %broadcast_in_dim3A_22, %add3A_493 : vector<16xi32>
    %add3A_495 = arith.addi %add3A_494, %iota3A : vector<16xi32>
    %mul3A_496 = arith.muli %add3A_495, %broadcast_in_dim3A_29 : vector<16xi32>
    %add3A_497 = arith.constant 560 : i32
    %add3A_498 = arith.addi %scan3A_35, %add3A_497 : i32
    %swap3A_499 = arith.index_cast %add3A_498 : i32 to index
    %swap3A_500 = tpu.vector_load %arg15[%swap3A_499] {strides = array<i32>} : memref<11040xi32, #tpu.memory_space<vmem>>, vector<16xi32>,
    tpu.vector_store %arg15[%swap3A_499], %mul3A_496 {strides = array<i32>} : memref<11040xi32, #tpu.memory_space<vmem>>, vector<16xi32>,
    %add3A_501 = arith.constant 560 : i32
    %add3A_502 = arith.addi %scan3A_35, %add3A_501 : i32
    %swap3A_503 = arith.index_cast %add3A_502 : i32 to index
    %swap3A_504 = tpu.vector_load %arg16[%swap3A_503] {strides = array<i32>} : memref<11040xf32, #tpu.memory_space<vmem>>, vector<16xf32>,
    tpu.vector_store %arg16[%swap3A_503], %broadcast_in_dim3A_1 {strides = array<i32>} : memref<11040xf32, #tpu.memory_space<vmem>>, vector<16xf32>,
    %add3A_505 = arith.constant 576 : i32
    %add3A_506 = vector.broadcast %add3A_505 : i32 to vector<16xi32>
    %add3A_507 = arith.addi %broadcast_in_dim3A_22, %add3A_506 : vector<16xi32>
    %add3A_508 = arith.addi %add3A_507, %iota3A : vector<16xi32>
    %mul3A_509 = arith.muli %add3A_508, %broadcast_in_dim3A_29 : vector<16xi32>
    %add3A_510 = arith.constant 576 : i32
    %add3A_511 = arith.addi %scan3A_35, %add3A_510 : i32
    %swap3A_512 = arith.index_cast %add3A_511 : i32 to index
    %swap3A_513 = tpu.vector_load %arg15[%swap3A_512] {strides = array<i32>} : memref<11040xi32, #tpu.memory_space<vmem>>, vector<16xi32>,
    tpu.vector_store %arg15[%swap3A_512], %mul3A_509 {strides = array<i32>} : memref<11040xi32, #tpu.memory_space<vmem>>, vector<16xi32>,
    %add3A_514 = arith.constant 576 : i32
    %add3A_515 = arith.addi %scan3A_35, %add3A_514 : i32
    %swap3A_516 = arith.index_cast %add3A_515 : i32 to index
    %swap3A_517 = tpu.vector_load %arg16[%swap3A_516] {strides = array<i32>} : memref<11040xf32, #tpu.memory_space<vmem>>, vector<16xf32>,
    tpu.vector_store %arg16[%swap3A_516], %broadcast_in_dim3A_1 {strides = array<i32>} : memref<11040xf32, #tpu.memory_space<vmem>>, vector<16xf32>,
    %add3A_518 = arith.constant 592 : i32
    %add3A_519 = vector.broadcast %add3A_518 : i32 to vector<16xi32>
    %add3A_520 = arith.addi %broadcast_in_dim3A_22, %add3A_519 : vector<16xi32>
    %add3A_521 = arith.addi %add3A_520, %iota3A : vector<16xi32>
    %mul3A_522 = arith.muli %add3A_521, %broadcast_in_dim3A_29 : vector<16xi32>
    %add3A_523 = arith.constant 592 : i32
    %add3A_524 = arith.addi %scan3A_35, %add3A_523 : i32
    %swap3A_525 = arith.index_cast %add3A_524 : i32 to index
    %swap3A_526 = tpu.vector_load %arg15[%swap3A_525] {strides = array<i32>} : memref<11040xi32, #tpu.memory_space<vmem>>, vector<16xi32>,
    tpu.vector_store %arg15[%swap3A_525], %mul3A_522 {strides = array<i32>} : memref<11040xi32, #tpu.memory_space<vmem>>, vector<16xi32>,
    %add3A_527 = arith.constant 592 : i32
    %add3A_528 = arith.addi %scan3A_35, %add3A_527 : i32
    %swap3A_529 = arith.index_cast %add3A_528 : i32 to index
    %swap3A_530 = tpu.vector_load %arg16[%swap3A_529] {strides = array<i32>} : memref<11040xf32, #tpu.memory_space<vmem>>, vector<16xf32>,
    tpu.vector_store %arg16[%swap3A_529], %broadcast_in_dim3A_1 {strides = array<i32>} : memref<11040xf32, #tpu.memory_space<vmem>>, vector<16xf32>,
    %add3A_531 = arith.constant 608 : i32
    %add3A_532 = vector.broadcast %add3A_531 : i32 to vector<16xi32>
    %add3A_533 = arith.addi %broadcast_in_dim3A_22, %add3A_532 : vector<16xi32>
    %add3A_534 = arith.addi %add3A_533, %iota3A : vector<16xi32>
    %mul3A_535 = arith.muli %add3A_534, %broadcast_in_dim3A_29 : vector<16xi32>
    %add3A_536 = arith.constant 608 : i32
    %add3A_537 = arith.addi %scan3A_35, %add3A_536 : i32
    %swap3A_538 = arith.index_cast %add3A_537 : i32 to index
    %swap3A_539 = tpu.vector_load %arg15[%swap3A_538] {strides = array<i32>} : memref<11040xi32, #tpu.memory_space<vmem>>, vector<16xi32>,
    tpu.vector_store %arg15[%swap3A_538], %mul3A_535 {strides = array<i32>} : memref<11040xi32, #tpu.memory_space<vmem>>, vector<16xi32>,
    %add3A_540 = arith.constant 608 : i32
    %add3A_541 = arith.addi %scan3A_35, %add3A_540 : i32
    %swap3A_542 = arith.index_cast %add3A_541 : i32 to index
    %swap3A_543 = tpu.vector_load %arg16[%swap3A_542] {strides = array<i32>} : memref<11040xf32, #tpu.memory_space<vmem>>, vector<16xf32>,
    tpu.vector_store %arg16[%swap3A_542], %broadcast_in_dim3A_1 {strides = array<i32>} : memref<11040xf32, #tpu.memory_space<vmem>>, vector<16xf32>,
    %add3A_544 = arith.constant 624 : i32
    %add3A_545 = vector.broadcast %add3A_544 : i32 to vector<16xi32>
    %add3A_546 = arith.addi %broadcast_in_dim3A_22, %add3A_545 : vector<16xi32>
    %add3A_547 = arith.addi %add3A_546, %iota3A : vector<16xi32>
    %mul3A_548 = arith.muli %add3A_547, %broadcast_in_dim3A_29 : vector<16xi32>
    %add3A_549 = arith.constant 624 : i32
    %add3A_550 = arith.addi %scan3A_35, %add3A_549 : i32
    %swap3A_551 = arith.index_cast %add3A_550 : i32 to index
    %swap3A_552 = tpu.vector_load %arg15[%swap3A_551] {strides = array<i32>} : memref<11040xi32, #tpu.memory_space<vmem>>, vector<16xi32>,
    tpu.vector_store %arg15[%swap3A_551], %mul3A_548 {strides = array<i32>} : memref<11040xi32, #tpu.memory_space<vmem>>, vector<16xi32>,
    %add3A_553 = arith.constant 624 : i32
    %add3A_554 = arith.addi %scan3A_35, %add3A_553 : i32
    %swap3A_555 = arith.index_cast %add3A_554 : i32 to index
    %swap3A_556 = tpu.vector_load %arg16[%swap3A_555] {strides = array<i32>} : memref<11040xf32, #tpu.memory_space<vmem>>, vector<16xf32>,
    tpu.vector_store %arg16[%swap3A_555], %broadcast_in_dim3A_1 {strides = array<i32>} : memref<11040xf32, #tpu.memory_space<vmem>>, vector<16xf32>,
    %add3A_557 = arith.constant 640 : i32
    %add3A_558 = vector.broadcast %add3A_557 : i32 to vector<16xi32>
    %add3A_559 = arith.addi %broadcast_in_dim3A_22, %add3A_558 : vector<16xi32>
    %add3A_560 = arith.addi %add3A_559, %iota3A : vector<16xi32>
    %mul3A_561 = arith.muli %add3A_560, %broadcast_in_dim3A_29 : vector<16xi32>
    %add3A_562 = arith.constant 640 : i32
    %add3A_563 = arith.addi %scan3A_35, %add3A_562 : i32
    %swap3A_564 = arith.index_cast %add3A_563 : i32 to index
    %swap3A_565 = tpu.vector_load %arg15[%swap3A_564] {strides = array<i32>} : memref<11040xi32, #tpu.memory_space<vmem>>, vector<16xi32>,
    tpu.vector_store %arg15[%swap3A_564], %mul3A_561 {strides = array<i32>} : memref<11040xi32, #tpu.memory_space<vmem>>, vector<16xi32>,
    %add3A_566 = arith.constant 640 : i32
    %add3A_567 = arith.addi %scan3A_35, %add3A_566 : i32
    %swap3A_568 = arith.index_cast %add3A_567 : i32 to index
    %swap3A_569 = tpu.vector_load %arg16[%swap3A_568] {strides = array<i32>} : memref<11040xf32, #tpu.memory_space<vmem>>, vector<16xf32>,
    tpu.vector_store %arg16[%swap3A_568], %broadcast_in_dim3A_1 {strides = array<i32>} : memref<11040xf32, #tpu.memory_space<vmem>>, vector<16xf32>,
    %add3A_570 = arith.constant 656 : i32
    %add3A_571 = vector.broadcast %add3A_570 : i32 to vector<16xi32>
    %add3A_572 = arith.addi %broadcast_in_dim3A_22, %add3A_571 : vector<16xi32>
    %add3A_573 = arith.addi %add3A_572, %iota3A : vector<16xi32>
    %mul3A_574 = arith.muli %add3A_573, %broadcast_in_dim3A_29 : vector<16xi32>
    %add3A_575 = arith.constant 656 : i32
    %add3A_576 = arith.addi %scan3A_35, %add3A_575 : i32
    %swap3A_577 = arith.index_cast %add3A_576 : i32 to index
    %swap3A_578 = tpu.vector_load %arg15[%swap3A_577] {strides = array<i32>} : memref<11040xi32, #tpu.memory_space<vmem>>, vector<16xi32>,
    tpu.vector_store %arg15[%swap3A_577], %mul3A_574 {strides = array<i32>} : memref<11040xi32, #tpu.memory_space<vmem>>, vector<16xi32>,
    %add3A_579 = arith.constant 656 : i32
    %add3A_580 = arith.addi %scan3A_35, %add3A_579 : i32
    %swap3A_581 = arith.index_cast %add3A_580 : i32 to index
    %swap3A_582 = tpu.vector_load %arg16[%swap3A_581] {strides = array<i32>} : memref<11040xf32, #tpu.memory_space<vmem>>, vector<16xf32>,
    tpu.vector_store %arg16[%swap3A_581], %broadcast_in_dim3A_1 {strides = array<i32>} : memref<11040xf32, #tpu.memory_space<vmem>>, vector<16xf32>,
    %add3A_583 = arith.constant 672 : i32
    %add3A_584 = vector.broadcast %add3A_583 : i32 to vector<16xi32>
    %add3A_585 = arith.addi %broadcast_in_dim3A_22, %add3A_584 : vector<16xi32>
    %add3A_586 = arith.addi %add3A_585, %iota3A : vector<16xi32>
    %mul3A_587 = arith.muli %add3A_586, %broadcast_in_dim3A_29 : vector<16xi32>
    %add3A_588 = arith.constant 672 : i32
    %add3A_589 = arith.addi %scan3A_35, %add3A_588 : i32
    %swap3A_590 = arith.index_cast %add3A_589 : i32 to index
    %swap3A_591 = tpu.vector_load %arg15[%swap3A_590] {strides = array<i32>} : memref<11040xi32, #tpu.memory_space<vmem>>, vector<16xi32>,
    tpu.vector_store %arg15[%swap3A_590], %mul3A_587 {strides = array<i32>} : memref<11040xi32, #tpu.memory_space<vmem>>, vector<16xi32>,
    %add3A_592 = arith.constant 672 : i32
    %add3A_593 = arith.addi %scan3A_35, %add3A_592 : i32
    %swap3A_594 = arith.index_cast %add3A_593 : i32 to index
    %swap3A_595 = tpu.vector_load %arg16[%swap3A_594] {strides = array<i32>} : memref<11040xf32, #tpu.memory_space<vmem>>, vector<16xf32>,
    tpu.vector_store %arg16[%swap3A_594], %broadcast_in_dim3A_1 {strides = array<i32>} : memref<11040xf32, #tpu.memory_space<vmem>>, vector<16xf32>,
    %add3A_596 = arith.constant 688 : i32
    %add3A_597 = vector.broadcast %add3A_596 : i32 to vector<16xi32>
    %add3A_598 = arith.addi %broadcast_in_dim3A_22, %add3A_597 : vector<16xi32>
    %add3A_599 = arith.addi %add3A_598, %iota3A : vector<16xi32>
    %mul3A_600 = arith.muli %add3A_599, %broadcast_in_dim3A_29 : vector<16xi32>
    %add3A_601 = arith.constant 688 : i32
    %add3A_602 = arith.addi %scan3A_35, %add3A_601 : i32
    %swap3A_603 = arith.index_cast %add3A_602 : i32 to index
    %swap3A_604 = tpu.vector_load %arg15[%swap3A_603] {strides = array<i32>} : memref<11040xi32, #tpu.memory_space<vmem>>, vector<16xi32>,
    tpu.vector_store %arg15[%swap3A_603], %mul3A_600 {strides = array<i32>} : memref<11040xi32, #tpu.memory_space<vmem>>, vector<16xi32>,
    %add3A_605 = arith.constant 688 : i32
    %add3A_606 = arith.addi %scan3A_35, %add3A_605 : i32
    %swap3A_607 = arith.index_cast %add3A_606 : i32 to index
    %swap3A_608 = tpu.vector_load %arg16[%swap3A_607] {strides = array<i32>} : memref<11040xf32, #tpu.memory_space<vmem>>, vector<16xf32>,
    tpu.vector_store %arg16[%swap3A_607], %broadcast_in_dim3A_1 {strides = array<i32>} : memref<11040xf32, #tpu.memory_space<vmem>>, vector<16xf32>,
    %add3A_609 = arith.constant 704 : i32
    %add3A_610 = vector.broadcast %add3A_609 : i32 to vector<16xi32>
    %add3A_611 = arith.addi %broadcast_in_dim3A_22, %add3A_610 : vector<16xi32>
    %add3A_612 = arith.addi %add3A_611, %iota3A : vector<16xi32>
    %mul3A_613 = arith.muli %add3A_612, %broadcast_in_dim3A_29 : vector<16xi32>
    %add3A_614 = arith.constant 704 : i32
    %add3A_615 = arith.addi %scan3A_35, %add3A_614 : i32
    %swap3A_616 = arith.index_cast %add3A_615 : i32 to index
    %swap3A_617 = tpu.vector_load %arg15[%swap3A_616] {strides = array<i32>} : memref<11040xi32, #tpu.memory_space<vmem>>, vector<16xi32>,
    tpu.vector_store %arg15[%swap3A_616], %mul3A_613 {strides = array<i32>} : memref<11040xi32, #tpu.memory_space<vmem>>, vector<16xi32>,
    %add3A_618 = arith.constant 704 : i32
    %add3A_619 = arith.addi %scan3A_35, %add3A_618 : i32
    %swap3A_620 = arith.index_cast %add3A_619 : i32 to index
    %swap3A_621 = tpu.vector_load %arg16[%swap3A_620] {strides = array<i32>} : memref<11040xf32, #tpu.memory_space<vmem>>, vector<16xf32>,
    tpu.vector_store %arg16[%swap3A_620], %broadcast_in_dim3A_1 {strides = array<i32>} : memref<11040xf32, #tpu.memory_space<vmem>>, vector<16xf32>,
    %add3A_622 = arith.constant 720 : i32
    %add3A_623 = vector.broadcast %add3A_622 : i32 to vector<16xi32>
    %add3A_624 = arith.addi %broadcast_in_dim3A_22, %add3A_623 : vector<16xi32>
    %add3A_625 = arith.addi %add3A_624, %iota3A : vector<16xi32>
    %mul3A_626 = arith.muli %add3A_625, %broadcast_in_dim3A_29 : vector<16xi32>
    %add3A_627 = arith.constant 720 : i32
    %add3A_628 = arith.addi %scan3A_35, %add3A_627 : i32
    %swap3A_629 = arith.index_cast %add3A_628 : i32 to index
    %swap3A_630 = tpu.vector_load %arg15[%swap3A_629] {strides = array<i32>} : memref<11040xi32, #tpu.memory_space<vmem>>, vector<16xi32>,
    tpu.vector_store %arg15[%swap3A_629], %mul3A_626 {strides = array<i32>} : memref<11040xi32, #tpu.memory_space<vmem>>, vector<16xi32>,
    %add3A_631 = arith.constant 720 : i32
    %add3A_632 = arith.addi %scan3A_35, %add3A_631 : i32
    %swap3A_633 = arith.index_cast %add3A_632 : i32 to index
    %swap3A_634 = tpu.vector_load %arg16[%swap3A_633] {strides = array<i32>} : memref<11040xf32, #tpu.memory_space<vmem>>, vector<16xf32>,
    tpu.vector_store %arg16[%swap3A_633], %broadcast_in_dim3A_1 {strides = array<i32>} : memref<11040xf32, #tpu.memory_space<vmem>>, vector<16xf32>,
    %add3A_635 = arith.constant 736 : i32
    %add3A_636 = vector.broadcast %add3A_635 : i32 to vector<16xi32>
    %add3A_637 = arith.addi %broadcast_in_dim3A_22, %add3A_636 : vector<16xi32>
    %add3A_638 = arith.addi %add3A_637, %iota3A : vector<16xi32>
    %mul3A_639 = arith.muli %add3A_638, %broadcast_in_dim3A_29 : vector<16xi32>
    %add3A_640 = arith.constant 736 : i32
    %add3A_641 = arith.addi %scan3A_35, %add3A_640 : i32
    %swap3A_642 = arith.index_cast %add3A_641 : i32 to index
    %swap3A_643 = tpu.vector_load %arg15[%swap3A_642] {strides = array<i32>} : memref<11040xi32, #tpu.memory_space<vmem>>, vector<16xi32>,
    tpu.vector_store %arg15[%swap3A_642], %mul3A_639 {strides = array<i32>} : memref<11040xi32, #tpu.memory_space<vmem>>, vector<16xi32>,
    %add3A_644 = arith.constant 736 : i32
    %add3A_645 = arith.addi %scan3A_35, %add3A_644 : i32
    %swap3A_646 = arith.index_cast %add3A_645 : i32 to index
    %swap3A_647 = tpu.vector_load %arg16[%swap3A_646] {strides = array<i32>} : memref<11040xf32, #tpu.memory_space<vmem>>, vector<16xf32>,
    tpu.vector_store %arg16[%swap3A_646], %broadcast_in_dim3A_1 {strides = array<i32>} : memref<11040xf32, #tpu.memory_space<vmem>>, vector<16xf32>,
    %add3A_648 = arith.constant 752 : i32
    %add3A_649 = vector.broadcast %add3A_648 : i32 to vector<16xi32>
    %add3A_650 = arith.addi %broadcast_in_dim3A_22, %add3A_649 : vector<16xi32>
    %add3A_651 = arith.addi %add3A_650, %iota3A : vector<16xi32>
    %mul3A_652 = arith.muli %add3A_651, %broadcast_in_dim3A_29 : vector<16xi32>
    %add3A_653 = arith.constant 752 : i32
    %add3A_654 = arith.addi %scan3A_35, %add3A_653 : i32
    %swap3A_655 = arith.index_cast %add3A_654 : i32 to index
    %swap3A_656 = tpu.vector_load %arg15[%swap3A_655] {strides = array<i32>} : memref<11040xi32, #tpu.memory_space<vmem>>, vector<16xi32>,
    tpu.vector_store %arg15[%swap3A_655], %mul3A_652 {strides = array<i32>} : memref<11040xi32, #tpu.memory_space<vmem>>, vector<16xi32>,
    %add3A_657 = arith.constant 752 : i32
    %add3A_658 = arith.addi %scan3A_35, %add3A_657 : i32
    %swap3A_659 = arith.index_cast %add3A_658 : i32 to index
    %swap3A_660 = tpu.vector_load %arg16[%swap3A_659] {strides = array<i32>} : memref<11040xf32, #tpu.memory_space<vmem>>, vector<16xf32>,
    tpu.vector_store %arg16[%swap3A_659], %broadcast_in_dim3A_1 {strides = array<i32>} : memref<11040xf32, #tpu.memory_space<vmem>>, vector<16xf32>,
    %add3A_661 = arith.constant 768 : i32
    %add3A_662 = vector.broadcast %add3A_661 : i32 to vector<16xi32>
    %add3A_663 = arith.addi %broadcast_in_dim3A_22, %add3A_662 : vector<16xi32>
    %add3A_664 = arith.addi %add3A_663, %iota3A : vector<16xi32>
    %mul3A_665 = arith.muli %add3A_664, %broadcast_in_dim3A_29 : vector<16xi32>
    %add3A_666 = arith.constant 768 : i32
    %add3A_667 = arith.addi %scan3A_35, %add3A_666 : i32
    %swap3A_668 = arith.index_cast %add3A_667 : i32 to index
    %swap3A_669 = tpu.vector_load %arg15[%swap3A_668] {strides = array<i32>} : memref<11040xi32, #tpu.memory_space<vmem>>, vector<16xi32>,
    tpu.vector_store %arg15[%swap3A_668], %mul3A_665 {strides = array<i32>} : memref<11040xi32, #tpu.memory_space<vmem>>, vector<16xi32>,
    %add3A_670 = arith.constant 768 : i32
    %add3A_671 = arith.addi %scan3A_35, %add3A_670 : i32
    %swap3A_672 = arith.index_cast %add3A_671 : i32 to index
    %swap3A_673 = tpu.vector_load %arg16[%swap3A_672] {strides = array<i32>} : memref<11040xf32, #tpu.memory_space<vmem>>, vector<16xf32>,
    tpu.vector_store %arg16[%swap3A_672], %broadcast_in_dim3A_1 {strides = array<i32>} : memref<11040xf32, #tpu.memory_space<vmem>>, vector<16xf32>,
    %add3A_674 = arith.constant 784 : i32
    %add3A_675 = vector.broadcast %add3A_674 : i32 to vector<16xi32>
    %add3A_676 = arith.addi %broadcast_in_dim3A_22, %add3A_675 : vector<16xi32>
    %add3A_677 = arith.addi %add3A_676, %iota3A : vector<16xi32>
    %mul3A_678 = arith.muli %add3A_677, %broadcast_in_dim3A_29 : vector<16xi32>
    %add3A_679 = arith.constant 784 : i32
    %add3A_680 = arith.addi %scan3A_35, %add3A_679 : i32
    %swap3A_681 = arith.index_cast %add3A_680 : i32 to index
    %swap3A_682 = tpu.vector_load %arg15[%swap3A_681] {strides = array<i32>} : memref<11040xi32, #tpu.memory_space<vmem>>, vector<16xi32>,
    tpu.vector_store %arg15[%swap3A_681], %mul3A_678 {strides = array<i32>} : memref<11040xi32, #tpu.memory_space<vmem>>, vector<16xi32>,
    %add3A_683 = arith.constant 784 : i32
    %add3A_684 = arith.addi %scan3A_35, %add3A_683 : i32
    %swap3A_685 = arith.index_cast %add3A_684 : i32 to index
    %swap3A_686 = tpu.vector_load %arg16[%swap3A_685] {strides = array<i32>} : memref<11040xf32, #tpu.memory_space<vmem>>, vector<16xf32>,
    tpu.vector_store %arg16[%swap3A_685], %broadcast_in_dim3A_1 {strides = array<i32>} : memref<11040xf32, #tpu.memory_space<vmem>>, vector<16xf32>,
    %add3A_687 = arith.constant 800 : i32
    %add3A_688 = vector.broadcast %add3A_687 : i32 to vector<16xi32>
    %add3A_689 = arith.addi %broadcast_in_dim3A_22, %add3A_688 : vector<16xi32>
    %add3A_690 = arith.addi %add3A_689, %iota3A : vector<16xi32>
    %mul3A_691 = arith.muli %add3A_690, %broadcast_in_dim3A_29 : vector<16xi32>
    %add3A_692 = arith.constant 800 : i32
    %add3A_693 = arith.addi %scan3A_35, %add3A_692 : i32
    %swap3A_694 = arith.index_cast %add3A_693 : i32 to index
    %swap3A_695 = tpu.vector_load %arg15[%swap3A_694] {strides = array<i32>} : memref<11040xi32, #tpu.memory_space<vmem>>, vector<16xi32>,
    tpu.vector_store %arg15[%swap3A_694], %mul3A_691 {strides = array<i32>} : memref<11040xi32, #tpu.memory_space<vmem>>, vector<16xi32>,
    %add3A_696 = arith.constant 800 : i32
    %add3A_697 = arith.addi %scan3A_35, %add3A_696 : i32
    %swap3A_698 = arith.index_cast %add3A_697 : i32 to index
    %swap3A_699 = tpu.vector_load %arg16[%swap3A_698] {strides = array<i32>} : memref<11040xf32, #tpu.memory_space<vmem>>, vector<16xf32>,
    tpu.vector_store %arg16[%swap3A_698], %broadcast_in_dim3A_1 {strides = array<i32>} : memref<11040xf32, #tpu.memory_space<vmem>>, vector<16xf32>,
    %add3A_700 = arith.constant 816 : i32
    %add3A_701 = vector.broadcast %add3A_700 : i32 to vector<16xi32>
    %add3A_702 = arith.addi %broadcast_in_dim3A_22, %add3A_701 : vector<16xi32>
    %add3A_703 = arith.addi %add3A_702, %iota3A : vector<16xi32>
    %mul3A_704 = arith.muli %add3A_703, %broadcast_in_dim3A_29 : vector<16xi32>
    %add3A_705 = arith.constant 816 : i32
    %add3A_706 = arith.addi %scan3A_35, %add3A_705 : i32
    %swap3A_707 = arith.index_cast %add3A_706 : i32 to index
    %swap3A_708 = tpu.vector_load %arg15[%swap3A_707] {strides = array<i32>} : memref<11040xi32, #tpu.memory_space<vmem>>, vector<16xi32>,
    tpu.vector_store %arg15[%swap3A_707], %mul3A_704 {strides = array<i32>} : memref<11040xi32, #tpu.memory_space<vmem>>, vector<16xi32>,
    %add3A_709 = arith.constant 816 : i32
    %add3A_710 = arith.addi %scan3A_35, %add3A_709 : i32
    %swap3A_711 = arith.index_cast %add3A_710 : i32 to index
    %swap3A_712 = tpu.vector_load %arg16[%swap3A_711] {strides = array<i32>} : memref<11040xf32, #tpu.memory_space<vmem>>, vector<16xf32>,
    tpu.vector_store %arg16[%swap3A_711], %broadcast_in_dim3A_1 {strides = array<i32>} : memref<11040xf32, #tpu.memory_space<vmem>>, vector<16xf32>,
    %add3A_713 = arith.constant 832 : i32
    %add3A_714 = vector.broadcast %add3A_713 : i32 to vector<16xi32>
    %add3A_715 = arith.addi %broadcast_in_dim3A_22, %add3A_714 : vector<16xi32>
    %add3A_716 = arith.addi %add3A_715, %iota3A : vector<16xi32>
    %mul3A_717 = arith.muli %add3A_716, %broadcast_in_dim3A_29 : vector<16xi32>
    %add3A_718 = arith.constant 832 : i32
    %add3A_719 = arith.addi %scan3A_35, %add3A_718 : i32
    %swap3A_720 = arith.index_cast %add3A_719 : i32 to index
    %swap3A_721 = tpu.vector_load %arg15[%swap3A_720] {strides = array<i32>} : memref<11040xi32, #tpu.memory_space<vmem>>, vector<16xi32>,
    tpu.vector_store %arg15[%swap3A_720], %mul3A_717 {strides = array<i32>} : memref<11040xi32, #tpu.memory_space<vmem>>, vector<16xi32>,
    %add3A_722 = arith.constant 832 : i32
    %add3A_723 = arith.addi %scan3A_35, %add3A_722 : i32
    %swap3A_724 = arith.index_cast %add3A_723 : i32 to index
    %swap3A_725 = tpu.vector_load %arg16[%swap3A_724] {strides = array<i32>} : memref<11040xf32, #tpu.memory_space<vmem>>, vector<16xf32>,
    tpu.vector_store %arg16[%swap3A_724], %broadcast_in_dim3A_1 {strides = array<i32>} : memref<11040xf32, #tpu.memory_space<vmem>>, vector<16xf32>,
    %add3A_726 = arith.constant 848 : i32
    %add3A_727 = vector.broadcast %add3A_726 : i32 to vector<16xi32>
    %add3A_728 = arith.addi %broadcast_in_dim3A_22, %add3A_727 : vector<16xi32>
    %add3A_729 = arith.addi %add3A_728, %iota3A : vector<16xi32>
    %mul3A_730 = arith.muli %add3A_729, %broadcast_in_dim3A_29 : vector<16xi32>
    %add3A_731 = arith.constant 848 : i32
    %add3A_732 = arith.addi %scan3A_35, %add3A_731 : i32
    %swap3A_733 = arith.index_cast %add3A_732 : i32 to index
    %swap3A_734 = tpu.vector_load %arg15[%swap3A_733] {strides = array<i32>} : memref<11040xi32, #tpu.memory_space<vmem>>, vector<16xi32>,
    tpu.vector_store %arg15[%swap3A_733], %mul3A_730 {strides = array<i32>} : memref<11040xi32, #tpu.memory_space<vmem>>, vector<16xi32>,
    %add3A_735 = arith.constant 848 : i32
    %add3A_736 = arith.addi %scan3A_35, %add3A_735 : i32
    %swap3A_737 = arith.index_cast %add3A_736 : i32 to index
    %swap3A_738 = tpu.vector_load %arg16[%swap3A_737] {strides = array<i32>} : memref<11040xf32, #tpu.memory_space<vmem>>, vector<16xf32>,
    tpu.vector_store %arg16[%swap3A_737], %broadcast_in_dim3A_1 {strides = array<i32>} : memref<11040xf32, #tpu.memory_space<vmem>>, vector<16xf32>,
    %add3A_739 = arith.constant 864 : i32
    %add3A_740 = vector.broadcast %add3A_739 : i32 to vector<16xi32>
    %add3A_741 = arith.addi %broadcast_in_dim3A_22, %add3A_740 : vector<16xi32>
    %add3A_742 = arith.addi %add3A_741, %iota3A : vector<16xi32>
    %mul3A_743 = arith.muli %add3A_742, %broadcast_in_dim3A_29 : vector<16xi32>
    %add3A_744 = arith.constant 864 : i32
    %add3A_745 = arith.addi %scan3A_35, %add3A_744 : i32
    %swap3A_746 = arith.index_cast %add3A_745 : i32 to index
    %swap3A_747 = tpu.vector_load %arg15[%swap3A_746] {strides = array<i32>} : memref<11040xi32, #tpu.memory_space<vmem>>, vector<16xi32>,
    tpu.vector_store %arg15[%swap3A_746], %mul3A_743 {strides = array<i32>} : memref<11040xi32, #tpu.memory_space<vmem>>, vector<16xi32>,
    %add3A_748 = arith.constant 864 : i32
    %add3A_749 = arith.addi %scan3A_35, %add3A_748 : i32
    %swap3A_750 = arith.index_cast %add3A_749 : i32 to index
    %swap3A_751 = tpu.vector_load %arg16[%swap3A_750] {strides = array<i32>} : memref<11040xf32, #tpu.memory_space<vmem>>, vector<16xf32>,
    tpu.vector_store %arg16[%swap3A_750], %broadcast_in_dim3A_1 {strides = array<i32>} : memref<11040xf32, #tpu.memory_space<vmem>>, vector<16xf32>,
    %add3A_752 = arith.constant 880 : i32
    %add3A_753 = vector.broadcast %add3A_752 : i32 to vector<16xi32>
    %add3A_754 = arith.addi %broadcast_in_dim3A_22, %add3A_753 : vector<16xi32>
    %add3A_755 = arith.addi %add3A_754, %iota3A : vector<16xi32>
    %mul3A_756 = arith.muli %add3A_755, %broadcast_in_dim3A_29 : vector<16xi32>
    %add3A_757 = arith.constant 880 : i32
    %add3A_758 = arith.addi %scan3A_35, %add3A_757 : i32
    %swap3A_759 = arith.index_cast %add3A_758 : i32 to index
    %swap3A_760 = tpu.vector_load %arg15[%swap3A_759] {strides = array<i32>} : memref<11040xi32, #tpu.memory_space<vmem>>, vector<16xi32>,
    tpu.vector_store %arg15[%swap3A_759], %mul3A_756 {strides = array<i32>} : memref<11040xi32, #tpu.memory_space<vmem>>, vector<16xi32>,
    %add3A_761 = arith.constant 880 : i32
    %add3A_762 = arith.addi %scan3A_35, %add3A_761 : i32
    %swap3A_763 = arith.index_cast %add3A_762 : i32 to index
    %swap3A_764 = tpu.vector_load %arg16[%swap3A_763] {strides = array<i32>} : memref<11040xf32, #tpu.memory_space<vmem>>, vector<16xf32>,
    tpu.vector_store %arg16[%swap3A_763], %broadcast_in_dim3A_1 {strides = array<i32>} : memref<11040xf32, #tpu.memory_space<vmem>>, vector<16xf32>,
    %add3A_765 = arith.constant 896 : i32
    %add3A_766 = vector.broadcast %add3A_765 : i32 to vector<16xi32>
    %add3A_767 = arith.addi %broadcast_in_dim3A_22, %add3A_766 : vector<16xi32>
    %add3A_768 = arith.addi %add3A_767, %iota3A : vector<16xi32>
    %mul3A_769 = arith.muli %add3A_768, %broadcast_in_dim3A_29 : vector<16xi32>
    %add3A_770 = arith.constant 896 : i32
    %add3A_771 = arith.addi %scan3A_35, %add3A_770 : i32
    %swap3A_772 = arith.index_cast %add3A_771 : i32 to index
    %swap3A_773 = tpu.vector_load %arg15[%swap3A_772] {strides = array<i32>} : memref<11040xi32, #tpu.memory_space<vmem>>, vector<16xi32>,
    tpu.vector_store %arg15[%swap3A_772], %mul3A_769 {strides = array<i32>} : memref<11040xi32, #tpu.memory_space<vmem>>, vector<16xi32>,
    %add3A_774 = arith.constant 896 : i32
    %add3A_775 = arith.addi %scan3A_35, %add3A_774 : i32
    %swap3A_776 = arith.index_cast %add3A_775 : i32 to index
    %swap3A_777 = tpu.vector_load %arg16[%swap3A_776] {strides = array<i32>} : memref<11040xf32, #tpu.memory_space<vmem>>, vector<16xf32>,
    tpu.vector_store %arg16[%swap3A_776], %broadcast_in_dim3A_1 {strides = array<i32>} : memref<11040xf32, #tpu.memory_space<vmem>>, vector<16xf32>,
    %add3A_778 = arith.constant 912 : i32
    %add3A_779 = vector.broadcast %add3A_778 : i32 to vector<16xi32>
    %add3A_780 = arith.addi %broadcast_in_dim3A_22, %add3A_779 : vector<16xi32>
    %add3A_781 = arith.addi %add3A_780, %iota3A : vector<16xi32>
    %mul3A_782 = arith.muli %add3A_781, %broadcast_in_dim3A_29 : vector<16xi32>
    %add3A_783 = arith.constant 912 : i32
    %add3A_784 = arith.addi %scan3A_35, %add3A_783 : i32
    %swap3A_785 = arith.index_cast %add3A_784 : i32 to index
    %swap3A_786 = tpu.vector_load %arg15[%swap3A_785] {strides = array<i32>} : memref<11040xi32, #tpu.memory_space<vmem>>, vector<16xi32>,
    tpu.vector_store %arg15[%swap3A_785], %mul3A_782 {strides = array<i32>} : memref<11040xi32, #tpu.memory_space<vmem>>, vector<16xi32>,
    %add3A_787 = arith.constant 912 : i32
    %add3A_788 = arith.addi %scan3A_35, %add3A_787 : i32
    %swap3A_789 = arith.index_cast %add3A_788 : i32 to index
    %swap3A_790 = tpu.vector_load %arg16[%swap3A_789] {strides = array<i32>} : memref<11040xf32, #tpu.memory_space<vmem>>, vector<16xf32>,
    tpu.vector_store %arg16[%swap3A_789], %broadcast_in_dim3A_1 {strides = array<i32>} : memref<11040xf32, #tpu.memory_space<vmem>>, vector<16xf32>,
    %add3A_791 = arith.constant 928 : i32
    %add3A_792 = vector.broadcast %add3A_791 : i32 to vector<16xi32>
    %add3A_793 = arith.addi %broadcast_in_dim3A_22, %add3A_792 : vector<16xi32>
    %add3A_794 = arith.addi %add3A_793, %iota3A : vector<16xi32>
    %mul3A_795 = arith.muli %add3A_794, %broadcast_in_dim3A_29 : vector<16xi32>
    %add3A_796 = arith.constant 928 : i32
    %add3A_797 = arith.addi %scan3A_35, %add3A_796 : i32
    %swap3A_798 = arith.index_cast %add3A_797 : i32 to index
    %swap3A_799 = tpu.vector_load %arg15[%swap3A_798] {strides = array<i32>} : memref<11040xi32, #tpu.memory_space<vmem>>, vector<16xi32>,
    tpu.vector_store %arg15[%swap3A_798], %mul3A_795 {strides = array<i32>} : memref<11040xi32, #tpu.memory_space<vmem>>, vector<16xi32>,
    %add3A_800 = arith.constant 928 : i32
    %add3A_801 = arith.addi %scan3A_35, %add3A_800 : i32
    %swap3A_802 = arith.index_cast %add3A_801 : i32 to index
    %swap3A_803 = tpu.vector_load %arg16[%swap3A_802] {strides = array<i32>} : memref<11040xf32, #tpu.memory_space<vmem>>, vector<16xf32>,
    tpu.vector_store %arg16[%swap3A_802], %broadcast_in_dim3A_1 {strides = array<i32>} : memref<11040xf32, #tpu.memory_space<vmem>>, vector<16xf32>,
    %add3A_804 = arith.constant 944 : i32
    %add3A_805 = vector.broadcast %add3A_804 : i32 to vector<16xi32>
    %add3A_806 = arith.addi %broadcast_in_dim3A_22, %add3A_805 : vector<16xi32>
    %add3A_807 = arith.addi %add3A_806, %iota3A : vector<16xi32>
    %mul3A_808 = arith.muli %add3A_807, %broadcast_in_dim3A_29 : vector<16xi32>
    %add3A_809 = arith.constant 944 : i32
    %add3A_810 = arith.addi %scan3A_35, %add3A_809 : i32
    %swap3A_811 = arith.index_cast %add3A_810 : i32 to index
    %swap3A_812 = tpu.vector_load %arg15[%swap3A_811] {strides = array<i32>} : memref<11040xi32, #tpu.memory_space<vmem>>, vector<16xi32>,
    tpu.vector_store %arg15[%swap3A_811], %mul3A_808 {strides = array<i32>} : memref<11040xi32, #tpu.memory_space<vmem>>, vector<16xi32>,
    %add3A_813 = arith.constant 944 : i32
    %add3A_814 = arith.addi %scan3A_35, %add3A_813 : i32
    %swap3A_815 = arith.index_cast %add3A_814 : i32 to index
    %swap3A_816 = tpu.vector_load %arg16[%swap3A_815] {strides = array<i32>} : memref<11040xf32, #tpu.memory_space<vmem>>, vector<16xf32>,
    tpu.vector_store %arg16[%swap3A_815], %broadcast_in_dim3A_1 {strides = array<i32>} : memref<11040xf32, #tpu.memory_space<vmem>>, vector<16xf32>,
    %add3A_817 = arith.constant 960 : i32
    %add3A_818 = vector.broadcast %add3A_817 : i32 to vector<16xi32>
    %add3A_819 = arith.addi %broadcast_in_dim3A_22, %add3A_818 : vector<16xi32>
    %add3A_820 = arith.addi %add3A_819, %iota3A : vector<16xi32>
    %mul3A_821 = arith.muli %add3A_820, %broadcast_in_dim3A_29 : vector<16xi32>
    %add3A_822 = arith.constant 960 : i32
    %add3A_823 = arith.addi %scan3A_35, %add3A_822 : i32
    %swap3A_824 = arith.index_cast %add3A_823 : i32 to index
    %swap3A_825 = tpu.vector_load %arg15[%swap3A_824] {strides = array<i32>} : memref<11040xi32, #tpu.memory_space<vmem>>, vector<16xi32>,
    tpu.vector_store %arg15[%swap3A_824], %mul3A_821 {strides = array<i32>} : memref<11040xi32, #tpu.memory_space<vmem>>, vector<16xi32>,
    %add3A_826 = arith.constant 960 : i32
    %add3A_827 = arith.addi %scan3A_35, %add3A_826 : i32
    %swap3A_828 = arith.index_cast %add3A_827 : i32 to index
    %swap3A_829 = tpu.vector_load %arg16[%swap3A_828] {strides = array<i32>} : memref<11040xf32, #tpu.memory_space<vmem>>, vector<16xf32>,
    tpu.vector_store %arg16[%swap3A_828], %broadcast_in_dim3A_1 {strides = array<i32>} : memref<11040xf32, #tpu.memory_space<vmem>>, vector<16xf32>,
    %add3A_830 = arith.constant 976 : i32
    %add3A_831 = vector.broadcast %add3A_830 : i32 to vector<16xi32>
    %add3A_832 = arith.addi %broadcast_in_dim3A_22, %add3A_831 : vector<16xi32>
    %add3A_833 = arith.addi %add3A_832, %iota3A : vector<16xi32>
    %mul3A_834 = arith.muli %add3A_833, %broadcast_in_dim3A_29 : vector<16xi32>
    %add3A_835 = arith.constant 976 : i32
    %add3A_836 = arith.addi %scan3A_35, %add3A_835 : i32
    %swap3A_837 = arith.index_cast %add3A_836 : i32 to index
    %swap3A_838 = tpu.vector_load %arg15[%swap3A_837] {strides = array<i32>} : memref<11040xi32, #tpu.memory_space<vmem>>, vector<16xi32>,
    tpu.vector_store %arg15[%swap3A_837], %mul3A_834 {strides = array<i32>} : memref<11040xi32, #tpu.memory_space<vmem>>, vector<16xi32>,
    %add3A_839 = arith.constant 976 : i32
    %add3A_840 = arith.addi %scan3A_35, %add3A_839 : i32
    %swap3A_841 = arith.index_cast %add3A_840 : i32 to index
    %swap3A_842 = tpu.vector_load %arg16[%swap3A_841] {strides = array<i32>} : memref<11040xf32, #tpu.memory_space<vmem>>, vector<16xf32>,
    tpu.vector_store %arg16[%swap3A_841], %broadcast_in_dim3A_1 {strides = array<i32>} : memref<11040xf32, #tpu.memory_space<vmem>>, vector<16xf32>,
    %add3A_843 = arith.constant 992 : i32
    %add3A_844 = vector.broadcast %add3A_843 : i32 to vector<16xi32>
    %add3A_845 = arith.addi %broadcast_in_dim3A_22, %add3A_844 : vector<16xi32>
    %add3A_846 = arith.addi %add3A_845, %iota3A : vector<16xi32>
    %mul3A_847 = arith.muli %add3A_846, %broadcast_in_dim3A_29 : vector<16xi32>
    %add3A_848 = arith.constant 992 : i32
    %add3A_849 = arith.addi %scan3A_35, %add3A_848 : i32
    %swap3A_850 = arith.index_cast %add3A_849 : i32 to index
    %swap3A_851 = tpu.vector_load %arg15[%swap3A_850] {strides = array<i32>} : memref<11040xi32, #tpu.memory_space<vmem>>, vector<16xi32>,
    tpu.vector_store %arg15[%swap3A_850], %mul3A_847 {strides = array<i32>} : memref<11040xi32, #tpu.memory_space<vmem>>, vector<16xi32>,
    %add3A_852 = arith.constant 992 : i32
    %add3A_853 = arith.addi %scan3A_35, %add3A_852 : i32
    %swap3A_854 = arith.index_cast %add3A_853 : i32 to index
    %swap3A_855 = tpu.vector_load %arg16[%swap3A_854] {strides = array<i32>} : memref<11040xf32, #tpu.memory_space<vmem>>, vector<16xf32>,
    tpu.vector_store %arg16[%swap3A_854], %broadcast_in_dim3A_1 {strides = array<i32>} : memref<11040xf32, #tpu.memory_space<vmem>>, vector<16xf32>,
    %add3A_856 = arith.constant 1008 : i32
    %add3A_857 = vector.broadcast %add3A_856 : i32 to vector<16xi32>
    %add3A_858 = arith.addi %broadcast_in_dim3A_22, %add3A_857 : vector<16xi32>
    %add3A_859 = arith.addi %add3A_858, %iota3A : vector<16xi32>
    %mul3A_860 = arith.muli %add3A_859, %broadcast_in_dim3A_29 : vector<16xi32>
    %add3A_861 = arith.constant 1008 : i32
    %add3A_862 = arith.addi %scan3A_35, %add3A_861 : i32
    %swap3A_863 = arith.index_cast %add3A_862 : i32 to index
    %swap3A_864 = tpu.vector_load %arg15[%swap3A_863] {strides = array<i32>} : memref<11040xi32, #tpu.memory_space<vmem>>, vector<16xi32>,
    tpu.vector_store %arg15[%swap3A_863], %mul3A_860 {strides = array<i32>} : memref<11040xi32, #tpu.memory_space<vmem>>, vector<16xi32>,
    %add3A_865 = arith.constant 1008 : i32
    %add3A_866 = arith.addi %scan3A_35, %add3A_865 : i32
    %swap3A_867 = arith.index_cast %add3A_866 : i32 to index
    %swap3A_868 = tpu.vector_load %arg16[%swap3A_867] {strides = array<i32>} : memref<11040xf32, #tpu.memory_space<vmem>>, vector<16xf32>,
    tpu.vector_store %arg16[%swap3A_867], %broadcast_in_dim3A_1 {strides = array<i32>} : memref<11040xf32, #tpu.memory_space<vmem>>, vector<16xf32>,
    %add3A_869 = arith.constant 1024 : i32
    %add3A_870 = arith.addi %scan3A_35, %add3A_869 : i32
    %sub3A = arith.constant 1 : i32
    %sub3A_871 = arith.subi %add3A_870, %sub3A : i32
    %jit3A = arith.constant 1024 : i32
    %div3A = arith.divsi %sub3A_871, %jit3A : i32
    %sign3A = arith.constant 0 : i32
    %sign3A_872 = arith.cmpi sgt, %sub3A_871, %sign3A : i32
    %sign3A_873 = arith.extui %sign3A_872 : i1 to i32
    %sign3A_874 = arith.constant 0 : i32
    %sign3A_875 = arith.cmpi slt, %sub3A_871, %sign3A_874 : i32
    %sign3A_876 = arith.extui %sign3A_875 : i1 to i32
    %sign3A_877 = arith.subi %sign3A_873, %sign3A_876 : i32
    %sign3A_878 = arith.constant 0 : i32
    %sign3A_879 = arith.cmpi sgt, %jit3A, %sign3A_878 : i32
    %sign3A_880 = arith.extui %sign3A_879 : i1 to i32
    %sign3A_881 = arith.constant 0 : i32
    %sign3A_882 = arith.cmpi slt, %jit3A, %sign3A_881 : i32
    %sign3A_883 = arith.extui %sign3A_882 : i1 to i32
    %sign3A_884 = arith.subi %sign3A_880, %sign3A_883 : i32
    %ne3A = arith.cmpi ne, %sign3A_877, %sign3A_884 : i32
    %rem3A = arith.remsi %sub3A_871, %jit3A : i32
    %ne3A_885 = arith.constant 0 : i32
    %ne3A_886 = arith.cmpi ne, %rem3A, %ne3A_885 : i32
    %and3A = arith.andi %ne3A, %ne3A_886 : i1
    %sub3A_887 = arith.constant 1 : i32
    %sub3A_888 = arith.subi %div3A, %sub3A_887 : i32
    %select_n3A = arith.select %and3A, %sub3A_888, %div3A : i32
    %scan3A_889 = arith.constant 0 : i32
    %scan3A_890 = arith.constant 0 : i32
    %scan3A_891 = arith.constant 125 : i32
    %scan3A_892 = arith.addi %scan3A_890, %scan3A_891 : i32
    %scan3A_893 = arith.constant 1 : i32
    scf.for %scan3A_914 = %scan3A_890 to %scan3A_892 step %scan3A_893  : i32 {
      %mul3A_915 = arith.constant 25000 : i32
      %mul3A_916 = arith.muli %scan3A_914, %mul3A_915 : i32
      %add3A_917 = arith.addi %mul3A_9, %mul3A_916 : i32
      %dma_wait3A = tpu.memref_slice %arg7[%add3A_917] : memref<100000000xf32, #tpu.memory_space<hbm>> -> memref<25000xf32, #tpu.memory_space<hbm>>
      %dma_wait3A_918 = tpu.memref_slice %arg7[%add3A_917] : memref<100000000xf32, #tpu.memory_space<hbm>> -> memref<25000xf32, #tpu.memory_space<hbm>>
      tpu.wait_dma2 semaphore(%arg18 : memref<!tpu.dma_semaphore, #tpu.memory_space<semaphore_mem>>) src(%arg8 : memref<25000xf32, #tpu.memory_space<vmem>>) dst(%dma_wait3A_918 : memref<25000xf32, #tpu.memory_space<hbm>>)
    }
    %scan3A_894 = arith.constant 125 : i32
    %barrier3A = arith.constant 0 : index
    tpu.barrier barrier_id(%barrier3A)
    %while3A = arith.constant 0 : i32
    %while3A_895 = arith.constant 0 : i32
    %while3A_896 = arith.subi %select_n3A, %while3A_895 : i32
    %while3A_897 = arith.addi %while3A_895, %while3A_896 : i32
    %while3A_898 = arith.constant 1 : i32
    %while3A_899 = arith.divsi %while3A_896, %while3A_898 : i32
    %while3A_900 = arith.muli %while3A_899, %while3A_898 : i32
    %while3A_901 = arith.addi %while3A_895, %while3A_900 : i32
    %while3A_902 = arith.constant 1 : i32
    scf.for %while3A_914 = %while3A_895 to %while3A_901 step %while3A_902  : i32 {
      %mul3A_915 = arith.constant 1024 : i32
      %mul3A_916 = arith.muli %while3A_914, %mul3A_915 : i32
      %mul3A_917 = arith.constant 1024 : i32
      %mul3A_918 = arith.muli %while3A_914, %mul3A_917 : i32
      %dma_start3A = tpu.memref_slice %arg16[%mul3A_916] : memref<11040xf32, #tpu.memory_space<vmem>> -> memref<1024xf32, #tpu.memory_space<vmem>>
      %dma_start3A_919 = tpu.memref_slice %arg15[%mul3A_918] : memref<11040xi32, #tpu.memory_space<vmem>> -> memref<1024xi32, #tpu.memory_space<vmem>>
      %dma_start3A_920 = arith.constant 0 : i32
      %dma_start3A_921 = tpu.memref_slice %arg7[%dma_start3A_920] : memref<100000000xf32, #tpu.memory_space<hbm>> -> memref<100000000xf32, #tpu.memory_space<hbm>>
      tpu.enqueue_indirect_dma source(%dma_start3A : memref<1024xf32, #tpu.memory_space<vmem>>) target(%dma_start3A_921 : memref<100000000xf32, #tpu.memory_space<hbm>>) offsets(%dma_start3A_919 : memref<1024xi32, #tpu.memory_space<vmem>>) semaphore(%arg17 : memref<!tpu.dma_semaphore, #tpu.memory_space<semaphore_mem>>)
    }
    %while3A_903 = arith.constant 1 : i32
    scf.for %while3A_914 = %while3A_901 to %while3A_897 step %while3A_903  : i32 {
      %mul3A_915 = arith.constant 1024 : i32
      %mul3A_916 = arith.muli %while3A_914, %mul3A_915 : i32
      %mul3A_917 = arith.constant 1024 : i32
      %mul3A_918 = arith.muli %while3A_914, %mul3A_917 : i32
      %dma_start3A = tpu.memref_slice %arg16[%mul3A_916] : memref<11040xf32, #tpu.memory_space<vmem>> -> memref<1024xf32, #tpu.memory_space<vmem>>
      %dma_start3A_919 = tpu.memref_slice %arg15[%mul3A_918] : memref<11040xi32, #tpu.memory_space<vmem>> -> memref<1024xi32, #tpu.memory_space<vmem>>
      %dma_start3A_920 = arith.constant 0 : i32
      %dma_start3A_921 = tpu.memref_slice %arg7[%dma_start3A_920] : memref<100000000xf32, #tpu.memory_space<hbm>> -> memref<100000000xf32, #tpu.memory_space<hbm>>
      tpu.enqueue_indirect_dma source(%dma_start3A : memref<1024xf32, #tpu.memory_space<vmem>>) target(%dma_start3A_921 : memref<100000000xf32, #tpu.memory_space<hbm>>) offsets(%dma_start3A_919 : memref<1024xi32, #tpu.memory_space<vmem>>) semaphore(%arg17 : memref<!tpu.dma_semaphore, #tpu.memory_space<semaphore_mem>>)
    }
    %while3A_904 = arith.constant 0 : i32
    %while3A_905 = arith.constant 0 : i32
    %while3A_906 = arith.subi %select_n3A, %while3A_905 : i32
    %while3A_907 = arith.addi %while3A_905, %while3A_906 : i32
    %while3A_908 = arith.constant 1 : i32
    %while3A_909 = arith.divsi %while3A_906, %while3A_908 : i32
    %while3A_910 = arith.muli %while3A_909, %while3A_908 : i32
    %while3A_911 = arith.addi %while3A_905, %while3A_910 : i32
    %while3A_912 = arith.constant 1 : i32
    scf.for %while3A_914 = %while3A_905 to %while3A_911 step %while3A_912  : i32 {
      %mul3A_915 = arith.constant 1024 : i32
      %mul3A_916 = arith.muli %while3A_914, %mul3A_915 : i32
      %mul3A_917 = arith.constant 1024 : i32
      %mul3A_918 = arith.muli %while3A_914, %mul3A_917 : i32
      %dma_wait3A = tpu.memref_slice %arg16[%mul3A_916] : memref<11040xf32, #tpu.memory_space<vmem>> -> memref<1024xf32, #tpu.memory_space<vmem>>
      %dma_wait3A_919 = tpu.memref_slice %arg15[%mul3A_918] : memref<11040xi32, #tpu.memory_space<vmem>> -> memref<1024xi32, #tpu.memory_space<vmem>>
      %dma_wait3A_920 = arith.constant 0 : i32
      %dma_wait3A_921 = tpu.memref_slice %arg7[%dma_wait3A_920] : memref<100000000xf32, #tpu.memory_space<hbm>> -> memref<100000000xf32, #tpu.memory_space<hbm>>
      tpu.wait_indirect_dma semaphore(%arg17 : memref<!tpu.dma_semaphore, #tpu.memory_space<semaphore_mem>>) src(%dma_wait3A : memref<1024xf32, #tpu.memory_space<vmem>>) dst(%dma_wait3A_921 : memref<100000000xf32, #tpu.memory_space<hbm>>)
    }
    %while3A_913 = arith.constant 1 : i32
    scf.for %while3A_914 = %while3A_911 to %while3A_907 step %while3A_913  : i32 {
      %mul3A_915 = arith.constant 1024 : i32
      %mul3A_916 = arith.muli %while3A_914, %mul3A_915 : i32
      %mul3A_917 = arith.constant 1024 : i32
      %mul3A_918 = arith.muli %while3A_914, %mul3A_917 : i32
      %dma_wait3A = tpu.memref_slice %arg16[%mul3A_916] : memref<11040xf32, #tpu.memory_space<vmem>> -> memref<1024xf32, #tpu.memory_space<vmem>>
      %dma_wait3A_919 = tpu.memref_slice %arg15[%mul3A_918] : memref<11040xi32, #tpu.memory_space<vmem>> -> memref<1024xi32, #tpu.memory_space<vmem>>
      %dma_wait3A_920 = arith.constant 0 : i32
      %dma_wait3A_921 = tpu.memref_slice %arg7[%dma_wait3A_920] : memref<100000000xf32, #tpu.memory_space<hbm>> -> memref<100000000xf32, #tpu.memory_space<hbm>>
      tpu.wait_indirect_dma semaphore(%arg17 : memref<!tpu.dma_semaphore, #tpu.memory_space<semaphore_mem>>) src(%dma_wait3A : memref<1024xf32, #tpu.memory_space<vmem>>) dst(%dma_wait3A_921 : memref<100000000xf32, #tpu.memory_space<hbm>>)
    }
    return
  }
}

module attributes {stable_mosaic.version = 14 : i64} {
  func.func @_pq_body(%arg0: memref<10000x128xf32, #tpu.memory_space<vmem>>, %arg1: memref<2x128xf32, #tpu.memory_space<vmem>>, %arg2: memref<1x1xf32, #tpu.memory_space<vmem>>, %arg3: memref<2x10000xf32, #tpu.memory_space<vmem>>) attributes {dimension_semantics = [], scalar_prefetch = 0 : i64, scratch_operands = 0 : i64, tpu.core_type = #tpu.core_type<tc>} {
    %get3A = arith.constant 0 : index
    %get3A_0 = arith.constant 0 : index
    %get3A_1 = vector.load %arg0[%get3A, %get3A_0] : memref<10000x128xf32, #tpu.memory_space<vmem>>, vector<10000x128xf32>
    %get3A_2 = arith.constant 0 : index
    %get3A_3 = arith.constant 0 : index
    %get3A_4 = vector.load %arg1[%get3A_2, %get3A_3] : memref<2x128xf32, #tpu.memory_space<vmem>>, vector<1x128xf32>
    %get3A_5 = vector.shape_cast %get3A_4 : vector<1x128xf32> to vector<128xf32>
    %get3A_6 = arith.constant 1 : index
    %get3A_7 = arith.constant 0 : index
    %get3A_8 = vector.load %arg1[%get3A_6, %get3A_7] : memref<2x128xf32, #tpu.memory_space<vmem>>, vector<1x128xf32>
    %get3A_9 = vector.shape_cast %get3A_8 : vector<1x128xf32> to vector<128xf32>
    %broadcast_in_dim3A = vector.shape_cast %get3A_5 : vector<128xf32> to vector<1x128xf32>
    %mul3A = vector.broadcast %broadcast_in_dim3A : vector<1x128xf32> to vector<10000x128xf32>
    %mul3A_10 = arith.mulf %get3A_1, %mul3A : vector<10000x128xf32>
    %reduce_sum3A = arith.constant dense<0.000000e+00> : vector<10000xf32>
    %reduce_sum3A_11 = vector.multi_reduction <add>, %mul3A_10, %reduce_sum3A [1] : vector<10000x128xf32> to vector<10000xf32>
    %get3A_12 = arith.constant 0 : index
    %get3A_13 = arith.constant 0 : index
    %get3A_14 = vector.load %arg2[%get3A_12, %get3A_13] : memref<1x1xf32, #tpu.memory_space<vmem>>, vector<1x1xf32>
    %get3A_15 = vector.extract %get3A_14[0, 0] : f32 from vector<1x1xf32>
    %add3A = vector.broadcast %get3A_15 : f32 to vector<10000xf32>
    %add3A_16 = arith.addf %reduce_sum3A_11, %add3A : vector<10000xf32>
    %broadcast_in_dim3A_17 = vector.shape_cast %get3A_9 : vector<128xf32> to vector<1x128xf32>
    %mul3A_18 = vector.broadcast %broadcast_in_dim3A_17 : vector<1x128xf32> to vector<10000x128xf32>
    %mul3A_19 = arith.mulf %get3A_1, %mul3A_18 : vector<10000x128xf32>
    %reduce_sum3A_20 = arith.constant dense<0.000000e+00> : vector<10000xf32>
    %reduce_sum3A_21 = vector.multi_reduction <add>, %mul3A_19, %reduce_sum3A_20 [1] : vector<10000x128xf32> to vector<10000xf32>
    %reshape3A = vector.shape_cast %add3A_16 : vector<10000xf32> to vector<1x10000xf32>
    %swap3A = arith.constant 0 : index
    %swap3A_22 = arith.constant 0 : index
    %swap3A_23 = vector.load %arg3[%swap3A, %swap3A_22] : memref<2x10000xf32, #tpu.memory_space<vmem>>, vector<1x10000xf32>
    tpu.vector_store %arg3[%swap3A, %swap3A_22], %reshape3A {strides = array<i32>} : memref<2x10000xf32, #tpu.memory_space<vmem>>, vector<1x10000xf32>,
    %reshape3A_24 = vector.shape_cast %reduce_sum3A_21 : vector<10000xf32> to vector<1x10000xf32>
    %swap3A_25 = arith.constant 1 : index
    %swap3A_26 = arith.constant 0 : index
    %swap3A_27 = vector.load %arg3[%swap3A_25, %swap3A_26] : memref<2x10000xf32, #tpu.memory_space<vmem>>, vector<1x10000xf32>
    tpu.vector_store %arg3[%swap3A_25, %swap3A_26], %reshape3A_24 {strides = array<i32>} : memref<2x10000xf32, #tpu.memory_space<vmem>>, vector<1x10000xf32>,
    return
  }
}

</mosaic_0001>

<sc_bundles>
// kernel: kernel.4.cloned.1.call-start
scs
__scs_entry_jumppad:
0x0: {  	(pc) =	sbr.rel $0x88, $3  }
0x1: {  	(tag) =	ssettag $0x0;
	lr =	simm.s32 $0x1  }
0x2: {  	[smem:$0x3F9C] =	sst lr;
	_ =	strace $0xD0000000  }
0x3: {  	_ = 	snop  }
0x4: {  	_ = 	snop  }
0x5: {  	_ = 	snop  }
0x6: {  	_ = 	snop  }
0x7: {  	_ = 	snop  }
__scs_overlays_trampoline_lowered:
0x8: {  	[smem:$0x3FAB] =	sst s0  }
0x9: {  	[smem:$0x3FAC] =	sst s1  }
0xa: {  	[smem:$0x3FAD] =	sst s2  }
0xb: {  	[smem:$0x3FAE] =	sst s3  }
0xc: {  	[smem:$0x3FAF] =	sst s4  }
0xd: {  	[smem:$0x3FB0] =	sst s5  }
0xe: {  	[smem:$0x3FB1] =	sst s6  }
0xf: {  	[smem:$0x3FB2] =	sst s7  }
0x10: {  	[smem:$0x3FB3] =	sst s8  }
0x11: {  	[smem:$0x3FB4] =	sst s9;
	s0 =	simm.s32 @!p0 $0x0  }
0x12: {  	s1 =	sld [smem:$0x3F9A];
	s0 =	simm.s32 @p0 $0x1  }
0x13: {  	[smem:$0x3FB5] =	sst s0;
	s0 =	simm.s32 @!p1 $0x0  }
0x14: {  	s2 =	sld [smem:$0x3F99];
	s0 =	simm.s32 @p1 $0x1  }
0x15: {  	[smem:$0x3FB6] =	sst s0;
	s0 =	simm.s32 @!p2 $0x0  }
0x16: {  	s3 =	sld [smem:$0x3FDB];
	s0 =	simm.s32 @p2 $0x1  }
0x17: {  	s4 =	simm.s32 $0x1BF5;
	[smem:$0x3FB8] =	sst s0  }
0x18: {  	s0 =	sld [smem:$0x3F9B];
	_ =	swait.ge [sflag:s4], $0x0  }
0x19: {  	s7 =	sld [smem:$0x3F9C]  }
0x1a: {  	s8 =	sadd.s32 $0xFFFFE003, lr  }
0x1b: {  	s9 =	sadd.s32 $0xFFFFFEF7, lr;
	s5 =	simm.s32 $0xFFFFFFFF;
	p2 =	slt.u32 s8, $0xFFFFF086  }
0x1c: {  	p1 =	slt.u32 s9, $0xF7A;
	s5 =	simm.s32 @!p2 $0x0  }
0x1d: {  	s5 =	simm.s32 @p1 $0x1;
	p0 =	seq.s32 s7, s2  }
0x1e: {  	s7 =	smul.u32 @!p0 $0xF7A, s2;
	p2 =	seq.s32 @!p0 s5, $0x0  }
0x1f: {  	s9 =	smul.u32 $0xF7A, s1;
	s8 =	simm.s32 @!p0 $0x1BF5;
	p2 =	por !p2, p0  }
0x20: {  	[sflag:s8] =	ssyncset.s32 @!p0 $0xFFFFF086;
	s6 =	sadd.s32 @!p0 s3, s7;
	s7 =	simm.s32 @!p0 $0x108  }
0x21: {  	s3 =	sadd.s32 s3, s9;
	s6 =	sadd.s32 @!p0 $0x88, s6;
	s7 =	simm.s32 @p2 $0x1082  }
0x22: {  	[simem:s7], [sflag:s8] =	dma.local @!p0 [hbm:s6], $0xF7A  }
0x23: {  	s9 =	sor.u32 $0xD0000000, s2;
	s6 =	simm.s32 $0x108;
	_ =	swait.ge @!p0 [sflag:s8], $0x0  }
0x24: {  	s3 =	sadd.s32 $0x88, s3;
	s6 =	simm.s32 @!p1 $0x1082;
	[sflag:s4] =	ssyncset.s32 $0xFFFFF086  }
0x25: {  	[simem:s6], [sflag:s4] =	dma.local [hbm:s3], $0xF7A  }
0x26: {  	[smem:$0x3F9C] =	sst s1;
	(tag) =	ssettag s2;
	_ =	strace s9  }
0x27: {  	s1 =	sld [smem:$0x3FAC]  }
0x28: {  	s2 =	sld [smem:$0x3FAD]  }
0x29: {  	s4 =	sld [smem:$0x3FAF]  }
0x2a: {  	p0 =	seq.s32 s5, $0x0;
	s5 =	sld [smem:$0x3FB0]  }
0x2b: {  	s6 =	sld [smem:$0x3FB1]  }
0x2c: {  	s7 =	sld [smem:$0x3FB2]  }
0x2d: {  	s3 =	simm.s32 $0x108;
	s8 =	sld [smem:$0x3FB3]  }
0x2e: {  	s3 =	simm.s32 @!p0 $0x1082;
	s9 =	sld [smem:$0x3FB4]  }
0x2f: {  	lr =	sadd.s32 s0, s3;
	s0 =	sld [smem:$0x3FAB]  }
0x30: {  	s3 =	sld [smem:$0x3FAE]  }
0x31: {  	[smem:$0x3FB7] =	sst s10  }
0x32: {  	s10 =	sld [smem:$0x3FB5];
	_ =	sdelay $0x3  }
0x33: {  	p0 =	seq.s32 s10, $0x1;
	s10 =	sld [smem:$0x3FB7];
	_ =	sdelay $0x3  }
0x34: {  	[smem:$0x3FB7] =	sst s10  }
0x35: {  	s10 =	sld [smem:$0x3FB6];
	_ =	sdelay $0x3  }
0x36: {  	p1 =	seq.s32 s10, $0x1;
	s10 =	sld [smem:$0x3FB7];
	_ =	sdelay $0x3  }
0x37: {  	[smem:$0x3FB7] =	sst s10  }
0x38: {  	s10 =	sld [smem:$0x3FB8]  }
0x39: {  	_ = 	snop;
	(pc) =	sbr.ind lr, $3  }
0x3a: {  	_ = 	snop  }
0x3b: {  	_ = 	snop  }
0x3c: {  	p2 =	seq.s32 s10, $0x1;
	s10 =	sld [smem:$0x3FB7]  }
0x3d: {  	_ =	shalt  }
0x3e: {  	_ =	shalt  }
0x3f: {  	_ =	shalt  }
0x40: {  	_ =	shalt  }
0x41: {  	_ =	shalt  }
0x42: {  	_ =	shalt  }
0x43: {  	_ =	shalt  }
0x44: {  	_ =	shalt  }
0x45: {  	_ =	shalt  }
0x46: {  	_ =	shalt  }
0x47: {  	_ =	shalt  }
0x48: {  	_ =	shalt  }
0x49: {  	_ =	shalt  }
0x4a: {  	_ =	shalt  }
0x4b: {  	_ =	shalt  }
0x4c: {  	_ =	shalt  }
0x4d: {  	_ =	shalt  }
0x4e: {  	_ =	shalt  }
0x4f: {  	_ =	shalt  }
0x50: {  	_ =	shalt  }
0x51: {  	_ =	shalt  }
0x52: {  	_ =	shalt  }
0x53: {  	_ =	shalt  }
0x54: {  	_ =	shalt  }
0x55: {  	_ =	shalt  }
0x56: {  	_ =	shalt  }
0x57: {  	_ =	shalt  }
0x58: {  	_ =	shalt  }
0x59: {  	_ =	shalt  }
0x5a: {  	_ =	shalt  }
0x5b: {  	_ =	shalt  }
0x5c: {  	_ =	shalt  }
0x5d: {  	_ =	shalt  }
0x5e: {  	_ =	shalt  }
0x5f: {  	_ =	shalt  }
0x60: {  	_ =	shalt  }
0x61: {  	_ =	shalt  }
0x62: {  	_ =	shalt  }
0x63: {  	_ =	shalt  }
0x64: {  	_ =	shalt  }
0x65: {  	_ =	shalt  }
0x66: {  	_ =	shalt  }
0x67: {  	_ =	shalt  }
0x68: {  	_ =	shalt  }
0x69: {  	_ =	shalt  }
0x6a: {  	_ =	shalt  }
0x6b: {  	_ =	shalt  }
0x6c: {  	_ =	shalt  }
0x6d: {  	_ =	shalt  }
0x6e: {  	_ =	shalt  }
0x6f: {  	_ =	shalt  }
0x70: {  	_ =	shalt  }
0x71: {  	_ =	shalt  }
0x72: {  	_ =	shalt  }
0x73: {  	_ =	shalt  }
0x74: {  	_ =	shalt  }
0x75: {  	_ =	shalt  }
0x76: {  	_ =	shalt  }
0x77: {  	_ =	shalt  }
0x78: {  	_ =	shalt  }
0x79: {  	_ =	shalt  }
0x7a: {  	_ =	shalt  }
0x7b: {  	_ =	shalt  }
0x7c: {  	_ =	shalt  }
0x7d: {  	_ =	shalt  }
0x7e: {  	_ =	shalt  }
0x7f: {  	_ =	shalt  }
0x80: {  	_ =	shalt  }
0x81: {  	_ =	shalt  }
0x82: {  	_ =	shalt  }
0x83: {  	_ =	shalt  }
0x84: {  	_ =	shalt  }
0x85: {  	_ =	shalt  }
0x86: {  	_ =	shalt  }
0x87: {  	_ =	shalt  }
.Lfunc_end0:
.L_simem_size_0:
called_computation_lowered:
.L_overlay_start_0:
0x88: {  	s2 =	sld [smem:$0x3FD9]  }
0x89: {  	s3 =	sld [smem:$0x3FFE];
	_ =	sdelay $0x1  }
0x8a: {  	s1 =	srdreg.scid  }
0x8b: {  	s0 =	sand.u32 $0x1, s1  }
0x8c: {  	s17 =	sshll.u32 s0, $0xA;
	s2 =	sadd.s32 s3, s2  }
0x8d: {  	s2 =	sadd.s32 s2, s17  }
0x8e: {  	[smem:$0x3FC3] =	sst s2  }
0x8f: {  	_ = 	snop  }
0x90: {  	s2 =	sld [smem:$0x3FC7]  }
0x91: {  	s18 =	sld [smem:$0x3FD0];
	(tm) =	ssettm $0x1  }
0x92: {  	s4 =	sld [smem:$0x3FFB];
	_ =	sdelay $0x3  }
0x93: {  	_ =	strace s4  }
0x94: {  	s4 =	sld [smem:$0x3FFC];
	_ =	sdelay $0x3  }
0x95: {  	_ =	strace s4  }
0x96: {  	s4 =	sld [smem:$0x3FFD];
	_ =	sdelay $0x3  }
0x97: {  	_ =	strace s4  }
0x98: {  	_ =	strace $0x8FFFFFFF  }
0x99: {  	s19 =	sld [smem:$0x3FDB];
	_ =	sdelay $0x1  }
0x9a: {  	s5 =	simm.s32 $_scs_section_size  }
0x9b: {  	s6 =	simm.s32 $_size__tile_overlayer_lowered;
	s7 =	simm.s32 $_tile_overlayer_lowered  }
0x9c: {  	s22 =	simm.s32 $0x1BFF;
	s21 =	sshll.u32 s7, $0x1;
	s4 =	sadd.s32 s5, s19  }
0x9d: {  	s8 =	simm.s32 $0x0;
	s20 =	sshll.u32 s6, $0x1;
	s6 =	sadd.s32 s21, s4  }
0x9e: {  	[timem:s8], [sflag:s22] =	dma.local [hbm:s6], s20  }
0x9f: {  	_ =	swait.ge [sflag:s22], s20  }
0xa0: {  	s5 =	ssub.s32 $0x0, s20;
	[sflag:s22] =	ssyncset.done $0x0  }
0xa1: {  	[sflag:s22] =	ssyncadd.s32 s5;
	_ =	sdelay $0x1  }
0xa2: {  	s23 =	simm.s32 $0x1B8B  }
0xa3: {  	_ =	swait.ge [sflag:s23], $0x1  }
0xa4: {  	[sflag:s23] =	ssyncset.done $0x0  }
0xa5: {  	s25 =	simm.s32 $0x1B8E;
	s24 =	sld [smem:$0x3FFE];
	[sflag:s23] =	ssyncadd.s32 $0xFFFFFFFF  }
0xa6: {  	s26 =	simm.s32 $execute0_lowered;
	[smem:$0x3FD2] =	sst s25  }
0xa7: {  	s6 =	sshll.u32 s26, $0x1;
	_ =	strace $0x80000046;
	[dreg:$0x1] =	wrdreg $0xFFFFFFFF  }
0xa8: {  	s28 =	simm.s32 $_size_execute0_lowered;
	s4 =	sadd.s32 s4, s6;
	[dreg:$0x0] =	wrdreg $0x0  }
0xa9: {  	s6 =	sshll.u32 s28, $0x1;
	[dreg:$0x2] =	wrdreg s4  }
0xaa: {  	[dreg:$0x3] =	wrdreg s6  }
0xab: {  	[dreg:$0x4] =	wrdreg $0xC0  }
0xac: {  	_ =	task [dreg:s8], $0x5FFFF  }
0xad: {  	[dreg:$0x1] =	wrdreg $0xFFFFFFFF  }
0xae: {  	[dreg:$0x0] =	wrdreg $0x60  }
0xaf: {  	[dreg:$0x2] =	wrdreg s24  }
0xb0: {  	[dreg:$0x3] =	wrdreg s18  }
0xb1: {  	[dreg:$0x4] =	wrdreg s2  }
0xb2: {  	[dreg:$0x5] =	wrdreg $0x9  }
0xb3: {  	_ =	task.clear_ibuf [dreg:s8], $0x6FFFF;
	_ =	strace $0x90000046  }
0xb4: {  	s29 =	simm.s32 $0x9;
	_ =	strace $0x80000048  }
0xb5: {  	_ =	swait.ge [sflag:s29], $0x1  }
0xb6: {  	[sflag:s29] =	ssyncadd.s32 $0xFFFFFFFF  }
0xb7: {  	_ =	strace $0x90000048  }
0xb8: {  	_ =	sfence  }
0xb9: {  	s30 =	sld [smem:$0x0];
	_ =	sdelay $0x2  }
0xba: {  	s31 =	sshll.u32 s1, $0xD;
	s1 =	sshrl.u32 s1, $0x2  }
0xbb: {  	s3 =	sand.u32 $0x4000, s31;
	s1 =	sadd.s32 s1, s30  }
0xbc: {  	s0 =	sor.u32 s3, s0;
	s1 =	sshll.u32 s1, $0x11  }
0xbd: {  	s0 =	sor.u32 s1, s0  }
0xbe: {  	s0 =	sadd.s32 $0x8F2B, s0  }
0xbf: {  	[sflag:s0] =	ssyncadd.remote.s32 $0x1  }
0xc0: {  	_ =	sfence.sel $0xFFFF  }
0xc1: {  	[dreg:$0x0] =	wrdreg $0xFFFFFFFF;
	(pc) =	sbr.abs _section_cstart, $3  }
0xc2: {  	[dreg:$0x1] =	wrdreg $0xFFFFFFFF  }
0xc3: {  	_ =	task.clear_ibuf [dreg:s8], $0x2FFFF;
	_ =	strace $0x9FFFFFFF  }
0xc4: {  	(tm) =	ssettm $0x7FFFFFFF  }
0xc5: {  	_ =	shalt  }
tec
execute0_lowered:
.L_overlay_start_1:
0x0: {  	(tag) =	ssettag $0x1  }
0x1: {  	s0 =	srdreg.scid  }
0x2: {  	s4 =	sand.u32 $0x1, s0  }
0x3: {  	s0 =	smul.u32 $0x1388, s4  }
0x4: {  	v1 =	vlaneseq.u32  }
0x5: {  	v2 =	vmul.u32 $0x2711, v1;
	v0 =	vmov s0  }
0x6: {  	v1 =	vmul.u32 $0x2711, v0  }
0x7: {  	v3 =	vadd.s32 $0x27110, v2  }
0x8: {  	v3 =	vadd.s32 v3, v1  }
0x9: {  	[tilespmem:$0x1FF50] =	vst v3;
	v3 =	vadd.s32 $0x4E220, v2  }
0xa: {  	v4 =	vadd.s32 $0x75330, v2;
	v3 =	vadd.s32 v3, v1  }
0xb: {  	[tilespmem:$0x1FF60] =	vst v3;
	v3 =	vadd.s32 v4, v1  }
0xc: {  	[tilespmem:$0x1FF70] =	vst v3;
	v3 =	vadd.s32 $0x9C440, v2  }
0xd: {  	v3 =	vadd.s32 v3, v1  }
0xe: {  	[tilespmem:$0x1FF80] =	vst v3;
	v3 =	vadd.s32 $0xC3550, v2  }
0xf: {  	v4 =	vadd.s32 $0xEA660, v2;
	v3 =	vadd.s32 v3, v1  }
0x10: {  	[tilespmem:$0x1FF90] =	vst v3;
	v3 =	vadd.s32 v4, v1  }
0x11: {  	[tilespmem:$0x1FFA0] =	vst v3;
	v3 =	vadd.s32 $0x111770, v2  }
0x12: {  	v3 =	vadd.s32 v3, v1  }
0x13: {  	[tilespmem:$0x1FFB0] =	vst v3;
	v3 =	vadd.s32 $0x138880, v2  }
0x14: {  	v4 =	vadd.s32 $0x15F990, v2;
	v3 =	vadd.s32 v3, v1  }
0x15: {  	[tilespmem:$0x1FFC0] =	vst v3;
	v3 =	vadd.s32 v4, v1  }
0x16: {  	[tilespmem:$0x1FFD0] =	vst v3;
	v3 =	vadd.s32 $0x186AA0, v2  }
0x17: {  	v3 =	vadd.s32 v3, v1  }
0x18: {  	v4 =	vadd.s32 $0x1D4CC0, v2;
	[tilespmem:$0x1FFE0] =	vst v3;
	v3 =	vadd.s32 $0x1ADBB0, v2  }
0x19: {  	v12 =	vadd.s32 v4, v1;
	v4 =	vadd.s32 $0x249FF0, v2;
	v3 =	vadd.s32 v3, v1  }
0x1a: {  	v61 =	vadd.s32 v2, v1;
	v15 =	vadd.s32 v4, v1;
	[tilespmem:$0x1FFF0] =	vst v3;
	v3 =	vadd.s32 $0x1FBDD0, v2  }
0x1b: {  	v4 =	vadd.s32 $0x2BF320, v2;
	v13 =	vadd.s32 v3, v1;
	v3 =	vadd.s32 $0x222EE0, v2  }
0x1c: {  	v18 =	vadd.s32 v4, v1;
	v14 =	vadd.s32 v3, v1;
	v3 =	vadd.s32 $0x271100, v2  }
0x1d: {  	v4 =	vadd.s32 $0x334650, v2;
	v16 =	vadd.s32 v3, v1;
	v3 =	vadd.s32 $0x298210, v2  }
0x1e: {  	v21 =	vadd.s32 v4, v1;
	v17 =	vadd.s32 v3, v1;
	v3 =	vadd.s32 $0x2E6430, v2  }
0x1f: {  	v4 =	vadd.s32 $0x3A9980, v2;
	v19 =	vadd.s32 v3, v1;
	v3 =	vadd.s32 $0x30D540, v2  }
0x20: {  	v24 =	vadd.s32 v4, v1;
	v20 =	vadd.s32 v3, v1;
	v3 =	vadd.s32 $0x35B760, v2  }
0x21: {  	v4 =	vadd.s32 $0x41ECB0, v2;
	v22 =	vadd.s32 v3, v1;
	v3 =	vadd.s32 $0x382870, v2  }
0x22: {  	v27 =	vadd.s32 v4, v1;
	v23 =	vadd.s32 v3, v1;
	v3 =	vadd.s32 $0x3D0A90, v2  }
0x23: {  	v4 =	vadd.s32 $0x493FE0, v2;
	v25 =	vadd.s32 v3, v1;
	v3 =	vadd.s32 $0x3F7BA0, v2  }
0x24: {  	v30 =	vadd.s32 v4, v1;
	v26 =	vadd.s32 v3, v1;
	v3 =	vadd.s32 $0x445DC0, v2  }
0x25: {  	v4 =	vadd.s32 $0x509310, v2;
	v28 =	vadd.s32 v3, v1;
	v3 =	vadd.s32 $0x46CED0, v2  }
0x26: {  	v33 =	vadd.s32 v4, v1;
	v29 =	vadd.s32 v3, v1;
	v3 =	vadd.s32 $0x4BB0F0, v2  }
0x27: {  	v4 =	vadd.s32 $0x57E640, v2;
	v31 =	vadd.s32 v3, v1;
	v3 =	vadd.s32 $0x4E2200, v2  }
0x28: {  	v36 =	vadd.s32 v4, v1;
	v32 =	vadd.s32 v3, v1;
	v3 =	vadd.s32 $0x530420, v2  }
0x29: {  	v4 =	vadd.s32 $0x5F3970, v2;
	v34 =	vadd.s32 v3, v1;
	v3 =	vadd.s32 $0x557530, v2  }
0x2a: {  	v39 =	vadd.s32 v4, v1;
	v35 =	vadd.s32 v3, v1;
	v3 =	vadd.s32 $0x5A5750, v2  }
0x2b: {  	v4 =	vadd.s32 $0x668CA0, v2;
	v37 =	vadd.s32 v3, v1;
	v3 =	vadd.s32 $0x5CC860, v2  }
0x2c: {  	v42 =	vadd.s32 v4, v1;
	v38 =	vadd.s32 v3, v1;
	v3 =	vadd.s32 $0x61AA80, v2  }
0x2d: {  	v4 =	vadd.s32 $0x6DDFD0, v2;
	v40 =	vadd.s32 v3, v1;
	v3 =	vadd.s32 $0x641B90, v2  }
0x2e: {  	s9 =	rddreg [dreg:$0x0];
	v45 =	vadd.s32 v4, v1;
	v41 =	vadd.s32 v3, v1;
	v3 =	vadd.s32 $0x68FDB0, v2  }
0x2f: {  	s7 =	rddreg [dreg:$0x1];
	v4 =	vadd.s32 $0x753300, v2;
	v43 =	vadd.s32 v3, v1;
	v3 =	vadd.s32 $0x6B6EC0, v2  }
0x30: {  	s8 =	rddreg [dreg:$0x2];
	s1 =	simm.s32 $0x0;
	v48 =	vadd.s32 v4, v1;
	v44 =	vadd.s32 v3, v1;
	v3 =	vadd.s32 $0x7050E0, v2  }
0x31: {  	s2 =	stileid.u32;
	s15 =	simm.s32 $0xB100;
	s16 =	simm.s32 $0x80;
	v4 =	vadd.s32 $0x7C8630, v2;
	v46 =	vadd.s32 v3, v1;
	v3 =	vadd.s32 $0x72C1F0, v2  }
0x32: {  	s17 =	simm.s32 $0x100;
	s18 =	simm.s32 $0xD880;
	s19 =	simm.s32 $0x10000;
	v51 =	vadd.s32 v4, v1;
	v47 =	vadd.s32 v3, v1;
	v3 =	vadd.s32 $0x77A410, v2  }
0x33: {  	s20 =	simm.s32 $0x12780;
	s21 =	simm.s32 $0x2;
	s23 =	simm.s32 $0x400;
	v4 =	vadd.s32 $0x83D960, v2;
	v49 =	vadd.s32 v3, v1;
	v3 =	vadd.s32 $0x7A1520, v2  }
0x34: {  	[smem:$0x7FF] =	sst s1;
	s10 =	smul.u32 $0x4E2, s2;
	s3 =	sadd.s32 $0x5400, s9;
	v54 =	vadd.s32 v4, v1;
	v50 =	vadd.s32 v3, v1;
	v3 =	vadd.s32 $0x7EF740, v2  }
0x35: {  	s22 =	simm.s32 $0x1;
	s24 =	simm.s32 $0x0;
	s14 =	smul.u32 $0x2FAF08, s2;
	v4 =	vadd.s32 $0x8B2C90, v2;
	v52 =	vadd.s32 v3, v1;
	v3 =	vadd.s32 $0x816850, v2  }
0x36: {  	s5 =	sadd.s32 $0x5E00, s9;
	s6 =	ssub.s32 $0x2, s4;
	s11 =	smul.u32 $0x2FAF080, s4;
	v57 =	vadd.s32 v4, v1;
	v53 =	vadd.s32 v3, v1;
	v3 =	vadd.s32 $0x864A70, v2  }
0x37: {  	s4 =	sadd.s32 $0x200, s9;
	s12 =	sadd.s32 s10, s9;
	s13 =	sshrl.u32 s6, $0x1;
	v4 =	vadd.s32 $0x927FC0, v2;
	v55 =	vadd.s32 v3, v1;
	v3 =	vadd.s32 $0x88BB80, v2  }
.Ltmp0:
0x38: {  	s7 =	sadd.s32 s7, s10;
	s8 =	sadd.s32 s8, s10;
	v60 =	vadd.s32 v4, v1;
	v56 =	vadd.s32 v3, v1;
	v3 =	vadd.s32 $0x8D9DA0, v2;
	(pc) =	sbr.rel .LBB2_1-.Ltmp0, $4  }
0x39: {  	s9 =	sadd.s32 $0x5410, s9;
	s0 =	rddreg [dreg:$0x3];
	s13 =	ssub.s32 s6, s13;
	v4 =	vadd.s32 $0x9761E0, v2;
	v58 =	vadd.s32 v3, v1;
	v3 =	vadd.s32 $0x900EB0, v2  }
0x3a: {  	s6 =	sadd.s32 $0x400, s12;
	s11 =	sadd.s32 s14, s11;
	s12 =	simm.s32 $0x6200;
	v63 =	vadd.s32 v4, v1;
	v59 =	vadd.s32 v3, v1;
	v3 =	vadd.s32 $0x94F0D0, v2  }
0x3b: {  	s14 =	simm.s32 $0x8980;
	s11 =	sshrl.u32 s11, $0x3;
	s10 =	smax.u32 s13, $0x1;
	v4 =	vimm.s32 $0x0;
	v2 =	vadd.s32 $0x99D2F0, v2;
	v62 =	vadd.s32 v3, v1  }
0x3c: {  	s13 =	simm.s32 $0x3;
	s11 =	sadd.s32 s11, s5;
	_ =	strace $0x80000047;
	v1 =	vadd.s32 v2, v1;
	v2 =	vadd.s32 $0x1388, v0;
	v3 =	vimm.f32 $-Inf  }
.LBB2_14:
0x3d: {  	[sflag:s22] =	ssyncadd.s32 $0xFFFFFC00  }
.LBB2_15:
0x3e: {  	s24 =	sadd.s32 $0x1, s24  }
0x3f: {  	p0 =	sne.s32 s24, s10  }
.Ltmp1:
0x40: {  	_ = 	snop;
	(pc) =	sbr.rel @!p0 .LBB2_16-.Ltmp1, $1  }
0x41: {  	_ =	sdelay $0x3  }
.LBB2_1:
0x42: {  	s25 =	simm.s32 $0x40;
	s26 =	simm.s32 $0x0  }
.LBB2_2:
0x43: {  	p0 =	sne.s32 s25, $0x18640;
	[tilespmem:s26+$0x0] =	vst v3;
	s26 =	smov.u32 s25;
	s25 =	sadd.s32 $0x40, s25  }
.Ltmp2:
0x44: {  	(pc) =	sbr.rel @p0 .LBB2_2-.Ltmp2, $2  }
0x45: {  	_ =	sdelay $0x2  }
0x46: {  	s26 =	sshra.s32 s26, $0x2  }
0x47: {  	[tilespmem:s26+$0x0] =	vst v3  }
0x48: {  	s25 =	simm.s32 $0xC35;
	s26 =	sadd.s32 $0x0, s11;
	[tilespmem:$0x6198] =	vst v3  }
.LBB2_4:
0x49: {  	[hbm4b:s26+s1] =	stream.linear.scatter [tilespmem:s1], [sflag:$0x2], $0x61A8, $0x38;
	[tilespmem:$0x17F00] =	vst v63  }
0x4a: {  	s26 =	smov.u32 s25;
	p0 =	sne.s32 s25, $0x5E9AC  }
.Ltmp3:
0x4b: {  	s25 =	sadd.s32 $0xC35, s25;
	(pc) =	sbr.rel @p0 .LBB2_4-.Ltmp3, $2  }
0x4c: {  	_ =	sdelay $0x2  }
0x4d: {  	s26 =	sadd.s32 s26, s11  }
0x4e: {  	[hbm4b:s26+s1] =	stream.linear.scatter [tilespmem:s1], [sflag:$0x2], $0x61A8, $0x38;
	[tilespmem:$0x17F00] =	vst v63  }
0x4f: {  	s25 =	simm.s32 $0x0  }
0x50: {  	[tilespmem:s12], [sflag:$0x3] =	stream.linear.gather [hbm4b:s6+s25], $0x2710, $0x38;
	[tilespmem:$0x17F00] =	vst v63  }
0x51: {  	_ =	swait.ge [sflag:s13], $0x2710  }
0x52: {  	[sflag:s13] =	ssyncset.done $0x0  }
0x53: {  	[sflag:s13] =	ssyncadd.s32 $0xFFFFD8F0  }
0x54: {  	[tilespmem:s14], [sflag:$0x3] =	stream.linear.gather [hbm4b:s7+s25], $0x2710, $0x38;
	[tilespmem:$0x17F00] =	vst v63  }
0x55: {  	_ =	swait.ge [sflag:s13], $0x2710  }
0x56: {  	[sflag:s13] =	ssyncset.done $0x0  }
0x57: {  	[sflag:s13] =	ssyncadd.s32 $0xFFFFD8F0  }
0x58: {  	[tilespmem:s15], [sflag:$0x3] =	stream.linear.gather [hbm4b:s8+s25], $0x2710, $0x38;
	[tilespmem:$0x17F00] =	vst v63  }
0x59: {  	_ =	swait.ge [sflag:s13], $0x2710  }
0x5a: {  	[sflag:s13] =	ssyncset.done $0x0  }
0x5b: {  	[sflag:s13] =	ssyncadd.s32 $0xFFFFD8F0  }
0x5c: {  	[tilespmem:s18], [sflag:$0x3] =	stream.strided.gather [hbm4b:s3+s16], $0x2780, s17, s16, $0x38;
	[tilespmem:$0x17F00] =	vst v63  }
0x5d: {  	_ =	swait.ge [sflag:s13], $0x2780  }
0x5e: {  	[sflag:s13] =	ssyncset.done $0x0  }
0x5f: {  	[sflag:s13] =	ssyncadd.s32 $0xFFFFD880  }
0x60: {  	[tilespmem:s19], [sflag:$0x3] =	stream.strided.gather [hbm4b:s9+s16], $0x2780, s17, s16, $0x38;
	[tilespmem:$0x17F00] =	vst v63  }
0x61: {  	_ =	swait.ge [sflag:s13], $0x2780  }
0x62: {  	[sflag:s13] =	ssyncset.done $0x0  }
0x63: {  	[sflag:s13] =	ssyncadd.s32 $0xFFFFD880  }
0x64: {  	[tilespmem:s20], [sflag:$0x3] =	stream.linear.gather [hbm4b:s4+s25], $0x80, $0x38;
	[tilespmem:$0x17F00] =	vst v63  }
0x65: {  	_ =	swait.ge [sflag:s13], $0x80  }
0x66: {  	[sflag:s13] =	ssyncset.done $0x0  }
0x67: {  	s31 =	simm.s32 $0x0;
	[sflag:s13] =	ssyncadd.s32 $0xFFFFFF80  }
0x68: {  	v6 =	vld [tilespmem:s31+$0x6200]  }
0x69: {  	v7 =	vld [tilespmem:s31+$0x8980];
	_ =	sdelay $0x3  }
0x6a: {  	vm0 =	vge.s32 v6, v0;
	vm1 =	vlt.s32 v6, v2  }
0x6b: {  	vm0 =	vmand vm0, vm1;
	vm1 =	vne.s32 v6, v7  }
0x6c: {  	vm0 =	vmand vm0, vm1  }
0x6d: {  	v5 =	vld [tilespmem:$0x12780];
	v8 =	vsel vm0, $0x1, v4  }
0x6e: {  	v9 =	vld.idx.msk [tilespmem:v6+s18+$0x0], $0xffff;
	(xrf0) =	vadd.scan.msk.s32 $0xffff, v8  }
0x6f: {  	v8 =	vld.idx.msk [tilespmem:v7+s19+$0x0], $0xffff  }
0x70: {  	v10 =	vld [tilespmem:s31+$0xB100];
	_ =	sdelay $0x3  }
0x71: {  	v8 =	vadd.f32 v8, v9;
	v9, _, _ =	vpop (xrf0)  }
0x72: {  	v10 =	vmul.f32 v10, v5;
	v6 =	vmul.u32 $0x2710, v6;
	(v2sf) =	vpush v9, $0xF;
	_ =	sdelay $0x1  }
0x73: {  	v6 =	vadd.s32 v7, v6;
	v7 =	vadd.f32 v8, v10  }
0x74: {  	[tilespmem:s25+$0x12800] =	vst.msk vm0, v6  }
0x75: {  	s28 =	simm.s32 $0x10;
	[tilespmem:s25+$0x15380] =	vst.msk vm0, v7  }
0x76: {  	v6 =	vld [tilespmem:s28+$0x6200]  }
0x77: {  	v9 =	vld [tilespmem:s28+$0x8980];
	_ =	sdelay $0x3  }
0x78: {  	vm0 =	vge.s32 v6, v0;
	vm1 =	vlt.s32 v6, v2  }
0x79: {  	vm0 =	vmand vm0, vm1;
	vm1 =	vne.s32 v6, v9  }
0x7a: {  	vm0 =	vmand vm0, vm1  }
0x7b: {  	v10 =	vmul.u32 $0x2710, v6;
	v7 =	vld.idx.msk [tilespmem:v6+s18+$0x0], $0xffff;
	v11 =	vsel vm0, $0x1, v4  }
0x7c: {  	v8 =	vld.idx.msk [tilespmem:v9+s19+$0x0], $0xffff;
	(xrf0) =	vadd.scan.msk.s32 $0xffff, v11  }
0x7d: {  	s26 =	simm.s32 $0x80;
	v6 =	vadd.s32 v9, v10;
	v9 =	vld [tilespmem:s28+$0xB100];
	s28 =	spop (v2sf)  }
.LBB2_6:
0x7e: {  	p0 =	sne.s32 s26, $0x9C00  }
0x7f: {  	s25 =	sadd.s32 s25, s28;
	s28 =	smov.u32 s26;
	s26 =	sadd.s32 $0x40, s26  }
0x80: {  	[tilespmem:s25+$0x12800] =	vst.msk vm0, v6;
	_ =	sdelay $0x1  }
0x81: {  	v6 =	vadd.f32 v8, v7;
	v7 =	vmul.f32 v9, v5;
	v8, _, _ =	vpop (xrf0)  }
0x82: {  	(v2sf) =	vpush v8, $0xF  }
0x83: {  	v6 =	vadd.f32 v6, v7;
	_ =	sdelay $0x1  }
0x84: {  	s28 =	sshra.s32 s28, $0x2;
	[tilespmem:s25+$0x15380] =	vst.msk vm0, v6  }
0x85: {  	v7 =	vld [tilespmem:s28+$0x6200]  }
0x86: {  	v8 =	vld [tilespmem:s28+$0x8980];
	_ =	sdelay $0x3  }
0x87: {  	vm0 =	vge.s32 v7, v0;
	vm1 =	vlt.s32 v7, v2;
	v6 =	vmul.u32 $0x2710, v7  }
0x88: {  	vm0 =	vmand vm0, vm1;
	vm1 =	vne.s32 v7, v8  }
.Ltmp4:
0x89: {  	vm0 =	vmand vm0, vm1;
	v6 =	vadd.s32 v8, v6;
	(pc) =	sbr.rel @p0 .LBB2_6-.Ltmp4, $4  }
0x8a: {  	v7 =	vld.idx.msk [tilespmem:v7+s18+$0x0], $0xffff;
	v9 =	vsel vm0, $0x1, v4  }
0x8b: {  	v8 =	vld.idx.msk [tilespmem:v8+s19+$0x0], $0xffff;
	(xrf0) =	vadd.scan.msk.s32 $0xffff, v9  }
0x8c: {  	v9 =	vld [tilespmem:s28+$0xB100]  }
0x8d: {  	s28 =	spop (v2sf)  }
0x8e: {  	_ =	sdelay $0x2  }
0x8f: {  	v10, _, _ =	vpop (xrf0)  }
0x90: {  	(v2sf) =	vpush v10, $0xF;
	_ =	sdelay $0x9  }
0x91: {  	v7 =	vadd.f32 v8, v7;
	v5 =	vmul.f32 v9, v5;
	_ =	sdelay $0x1  }
0x92: {  	s25 =	sadd.s32 s25, s28;
	v5 =	vadd.f32 v7, v5  }
0x93: {  	[tilespmem:s25+$0x12800] =	vst.msk vm0, v6  }
0x94: {  	[tilespmem:s25+$0x15380] =	vst.msk vm0, v5;
	v5 =	vld [tilespmem:$0x1FF50]  }
0x95: {  	s26 =	spop (v2sf)  }
0x96: {  	s25 =	sadd.s32 s25, s26  }
0x97: {  	[tilespmem:s25+$0x12800] =	vst v61  }
0x98: {  	[tilespmem:s25+$0x15380] =	vst v3  }
0x99: {  	[tilespmem:s25+$0x12810] =	vst v5  }
0x9a: {  	[tilespmem:s25+$0x15390] =	vst v3  }
0x9b: {  	[tilespmem:s25+$0x153A0] =	vst v3  }
0x9c: {  	[tilespmem:s25+$0x153B0] =	vst v3  }
0x9d: {  	[tilespmem:s25+$0x153C0] =	vst v3  }
0x9e: {  	[tilespmem:s25+$0x153D0] =	vst v3  }
0x9f: {  	[tilespmem:s25+$0x153E0] =	vst v3  }
0xa0: {  	[tilespmem:s25+$0x153F0] =	vst v3  }
0xa1: {  	[tilespmem:s25+$0x15400] =	vst v3  }
0xa2: {  	[tilespmem:s25+$0x15410] =	vst v3  }
0xa3: {  	[tilespmem:s25+$0x15420] =	vst v3  }
0xa4: {  	[tilespmem:s25+$0x15430] =	vst v3  }
0xa5: {  	[tilespmem:s25+$0x128C0] =	vst v12  }
0xa6: {  	[tilespmem:s25+$0x15440] =	vst v3  }
0xa7: {  	[tilespmem:s25+$0x128D0] =	vst v13  }
0xa8: {  	[tilespmem:s25+$0x15450] =	vst v3  }
0xa9: {  	[tilespmem:s25+$0x128E0] =	vst v14  }
0xaa: {  	[tilespmem:s25+$0x15460] =	vst v3  }
0xab: {  	[tilespmem:s25+$0x128F0] =	vst v15  }
0xac: {  	[tilespmem:s25+$0x15470] =	vst v3  }
0xad: {  	[tilespmem:s25+$0x12900] =	vst v16  }
0xae: {  	[tilespmem:s25+$0x15480] =	vst v3  }
0xaf: {  	[tilespmem:s25+$0x12910] =	vst v17  }
0xb0: {  	[tilespmem:s25+$0x15490] =	vst v3  }
0xb1: {  	[tilespmem:s25+$0x12920] =	vst v18  }
0xb2: {  	[tilespmem:s25+$0x154A0] =	vst v3  }
0xb3: {  	[tilespmem:s25+$0x12930] =	vst v19  }
0xb4: {  	[tilespmem:s25+$0x154B0] =	vst v3  }
0xb5: {  	[tilespmem:s25+$0x12940] =	vst v20  }
0xb6: {  	[tilespmem:s25+$0x154C0] =	vst v3  }
0xb7: {  	[tilespmem:s25+$0x12950] =	vst v21  }
0xb8: {  	[tilespmem:s25+$0x154D0] =	vst v3  }
0xb9: {  	[tilespmem:s25+$0x12960] =	vst v22  }
0xba: {  	[tilespmem:s25+$0x154E0] =	vst v3  }
0xbb: {  	[tilespmem:s25+$0x12970] =	vst v23  }
0xbc: {  	[tilespmem:s25+$0x154F0] =	vst v3  }
0xbd: {  	[tilespmem:s25+$0x12980] =	vst v24  }
0xbe: {  	[tilespmem:s25+$0x15500] =	vst v3  }
0xbf: {  	[tilespmem:s25+$0x12990] =	vst v25  }
0xc0: {  	[tilespmem:s25+$0x15510] =	vst v3  }
0xc1: {  	[tilespmem:s25+$0x129A0] =	vst v26  }
0xc2: {  	[tilespmem:s25+$0x15520] =	vst v3  }
0xc3: {  	[tilespmem:s25+$0x129B0] =	vst v27  }
0xc4: {  	[tilespmem:s25+$0x15530] =	vst v3  }
0xc5: {  	[tilespmem:s25+$0x129C0] =	vst v28  }
0xc6: {  	[tilespmem:s25+$0x15540] =	vst v3  }
0xc7: {  	[tilespmem:s25+$0x129D0] =	vst v29  }
0xc8: {  	[tilespmem:s25+$0x15550] =	vst v3  }
0xc9: {  	[tilespmem:s25+$0x129E0] =	vst v30  }
0xca: {  	[tilespmem:s25+$0x15560] =	vst v3  }
0xcb: {  	[tilespmem:s25+$0x129F0] =	vst v31  }
0xcc: {  	[tilespmem:s25+$0x15570] =	vst v3  }
0xcd: {  	[tilespmem:s25+$0x12A00] =	vst v32  }
0xce: {  	[tilespmem:s25+$0x15580] =	vst v3  }
0xcf: {  	[tilespmem:s25+$0x12A10] =	vst v33  }
0xd0: {  	[tilespmem:s25+$0x15590] =	vst v3  }
0xd1: {  	[tilespmem:s25+$0x12A20] =	vst v34  }
0xd2: {  	[tilespmem:s25+$0x155A0] =	vst v3  }
0xd3: {  	[tilespmem:s25+$0x12A30] =	vst v35  }
0xd4: {  	[tilespmem:s25+$0x155B0] =	vst v3  }
0xd5: {  	[tilespmem:s25+$0x12A40] =	vst v36  }
0xd6: {  	[tilespmem:s25+$0x155C0] =	vst v3  }
0xd7: {  	[tilespmem:s25+$0x12A50] =	vst v37  }
0xd8: {  	[tilespmem:s25+$0x155D0] =	vst v3  }
0xd9: {  	[tilespmem:s25+$0x12A60] =	vst v38  }
0xda: {  	[tilespmem:s25+$0x155E0] =	vst v3  }
0xdb: {  	[tilespmem:s25+$0x12A70] =	vst v39  }
0xdc: {  	[tilespmem:s25+$0x155F0] =	vst v3  }
0xdd: {  	[tilespmem:s25+$0x12A80] =	vst v40  }
0xde: {  	[tilespmem:s25+$0x15600] =	vst v3  }
0xdf: {  	[tilespmem:s25+$0x12A90] =	vst v41  }
0xe0: {  	[tilespmem:s25+$0x15610] =	vst v3  }
0xe1: {  	[tilespmem:s25+$0x12AA0] =	vst v42  }
0xe2: {  	[tilespmem:s25+$0x15620] =	vst v3  }
0xe3: {  	[tilespmem:s25+$0x12AB0] =	vst v43  }
0xe4: {  	v5 =	vld [tilespmem:$0x1FF60];
	[tilespmem:s25+$0x15630] =	vst v3  }
0xe5: {  	[tilespmem:s25+$0x12AC0] =	vst v44  }
0xe6: {  	[tilespmem:s25+$0x15640] =	vst v3  }
0xe7: {  	[tilespmem:s25+$0x12AD0] =	vst v45  }
0xe8: {  	[tilespmem:s25+$0x15650] =	vst v3  }
0xe9: {  	[tilespmem:s25+$0x12820] =	vst v5;
	v5 =	vld [tilespmem:$0x1FF70]  }
0xea: {  	[tilespmem:s25+$0x12AE0] =	vst v46  }
0xeb: {  	[tilespmem:s25+$0x15660] =	vst v3  }
0xec: {  	[tilespmem:s25+$0x12AF0] =	vst v47  }
0xed: {  	[tilespmem:s25+$0x15670] =	vst v3  }
0xee: {  	[tilespmem:s25+$0x12830] =	vst v5;
	v5 =	vld [tilespmem:$0x1FF80]  }
0xef: {  	[tilespmem:s25+$0x12B00] =	vst v48  }
0xf0: {  	[tilespmem:s25+$0x15680] =	vst v3  }
0xf1: {  	[tilespmem:s25+$0x12B10] =	vst v49  }
0xf2: {  	[tilespmem:s25+$0x15690] =	vst v3  }
0xf3: {  	[tilespmem:s25+$0x12840] =	vst v5;
	v5 =	vld [tilespmem:$0x1FF90]  }
0xf4: {  	[tilespmem:s25+$0x12B20] =	vst v50  }
0xf5: {  	[tilespmem:s25+$0x156A0] =	vst v3  }
0xf6: {  	[tilespmem:s25+$0x12B30] =	vst v51  }
0xf7: {  	[tilespmem:s25+$0x156B0] =	vst v3  }
0xf8: {  	[tilespmem:s25+$0x12850] =	vst v5;
	v5 =	vld [tilespmem:$0x1FFA0]  }
0xf9: {  	[tilespmem:s25+$0x12B40] =	vst v52  }
0xfa: {  	[tilespmem:s25+$0x156C0] =	vst v3  }
0xfb: {  	[tilespmem:s25+$0x12B50] =	vst v53  }
0xfc: {  	[tilespmem:s25+$0x156D0] =	vst v3  }
0xfd: {  	[tilespmem:s25+$0x12860] =	vst v5;
	v5 =	vld [tilespmem:$0x1FFB0]  }
0xfe: {  	[tilespmem:s25+$0x12B60] =	vst v54  }
0xff: {  	[tilespmem:s25+$0x156E0] =	vst v3  }
0x100: {  	[tilespmem:s25+$0x12B70] =	vst v55  }
0x101: {  	[tilespmem:s25+$0x156F0] =	vst v3  }
0x102: {  	[tilespmem:s25+$0x12870] =	vst v5;
	v5 =	vld [tilespmem:$0x1FFC0]  }
0x103: {  	[tilespmem:s25+$0x12B80] =	vst v56  }
0x104: {  	[tilespmem:s25+$0x15700] =	vst v3  }
0x105: {  	[tilespmem:s25+$0x12B90] =	vst v57  }
0x106: {  	[tilespmem:s25+$0x15710] =	vst v3  }
0x107: {  	[tilespmem:s25+$0x12880] =	vst v5;
	v5 =	vld [tilespmem:$0x1FFD0]  }
0x108: {  	[tilespmem:s25+$0x12BA0] =	vst v58  }
0x109: {  	[tilespmem:s25+$0x15720] =	vst v3  }
0x10a: {  	[tilespmem:s25+$0x12BB0] =	vst v59  }
0x10b: {  	[tilespmem:s25+$0x15730] =	vst v3  }
0x10c: {  	[tilespmem:s25+$0x12890] =	vst v5;
	v5 =	vld [tilespmem:$0x1FFE0]  }
0x10d: {  	[tilespmem:s25+$0x12BC0] =	vst v60  }
0x10e: {  	[tilespmem:s25+$0x15740] =	vst v3  }
0x10f: {  	[tilespmem:s25+$0x12BD0] =	vst v62  }
0x110: {  	[tilespmem:s25+$0x15750] =	vst v3  }
0x111: {  	[tilespmem:s25+$0x128A0] =	vst v5;
	v5 =	vld [tilespmem:$0x1FFF0]  }
0x112: {  	[tilespmem:s25+$0x12BE0] =	vst v63  }
0x113: {  	[tilespmem:s25+$0x15760] =	vst v3  }
0x114: {  	[tilespmem:s25+$0x12BF0] =	vst v1  }
0x115: {  	[tilespmem:s25+$0x15770] =	vst v3  }
0x116: {  	[tilespmem:s25+$0x128B0] =	vst v5  }
0x117: {  	_ =	swait.ge [sflag:s21], $0x61A8  }
0x118: {  	s26 =	simm.s32 $0x7C;
	[sflag:s21] =	ssyncset.done $0x0  }
.LBB2_8:
0x119: {  	p0 =	sne.s32 s26, $0x1;
	s26 =	sadd.s32 $0xFFFFFFFF, s26;
	[sflag:s21] =	ssyncadd.s32 $0xFFFF9E58  }
.Ltmp5:
0x11a: {  	(pc) =	sbr.rel @p0 .LBB2_8-.Ltmp5, $3  }
0x11b: {  	_ =	sdelay $0x1  }
0x11c: {  	_ =	swait.ge [sflag:s21], $0x61A8  }
0x11d: {  	[sflag:s21] =	ssyncset.done $0x0  }
0x11e: {  	s25 =	sadd.s32 $0x3FF, s25  }
0x11f: {  	s26 =	sand.u32 $0x3FF, s25  }
0x120: {  	s31 =	sshra.s32 s25, $0x1F;
	p1 =	slt.s32 s25, $0x1;
	p0 =	sne.s32 s26, $0x0  }
0x121: {  	s26 =	sshrl.u32 s31, $0x16;
	p0 =	por !p1, !p0  }
0x122: {  	s25 =	sadd.s32 s26, s25;
	s26 =	simm.s32 $0x1;
	p0 =	por !p0, !p0  }
0x123: {  	s25 =	sshra.s32 s25, $0xA;
	s26 =	simm.s32 @!p0 $0x0  }
0x124: {  	s25 =	ssub.s32 s25, s26  }
0x125: {  	p0 =	slt.s32 s25, $0x1  }
.Ltmp6:
0x126: {  	_ = 	snop;
	(pc) =	sbr.rel @p0 .LBB2_15-.Ltmp6, $3  }
0x127: {  	_ = 	snop  }
0x128: {  	[sflag:s21] =	ssyncadd.s32 $0xFFFF9E58  }
0x129: {  	[bflag:$0x0] =	sbarrier.arrive $0xFFFF;
	_ =	sdelay $0x1  }
0x12a: {  	p0 =	sne.s32 s25, $0x1  }
.Ltmp7:
0x12b: {  	_ = 	snop;
	(pc) =	sbr.rel @!p0 .LBB2_12-.Ltmp7, $3  }
0x12c: {  	_ =	sdelay $0x1  }
0x12d: {  	s26 =	simm.s32 $0x15380;
	s28 =	simm.s32 $0x12800;
	s29 =	sadd.s32 $0xFFFFFFFF, s25  }
0x12e: {  	[hbm4b:s5+s23] =	stream.indirect.scatter [tilespmem:s26], [sflag:$0x1], $0x1, s28, s23, $0xb8;
	[tilespmem:$0x17F00] =	vst v63  }
.LBB2_11:
0x12f: {  	p1 =	sne.s32 s29, $0x1  }
.Ltmp8:
0x130: {  	_ = 	snop;
	(pc) =	sbr.rel @p1 .LBB2_11-.Ltmp8, $4  }
0x131: {  	_ = 	snop  }
0x132: {  	s26 =	sadd.s32 $0x400, s26;
	s28 =	sadd.s32 $0x400, s28  }
0x133: {  	s29 =	sadd.s32 $0xFFFFFFFF, s29  }
0x134: {  	[hbm4b:s5+s23] =	stream.indirect.scatter [tilespmem:s26], [sflag:$0x1], $0x1, s28, s23, $0xb8;
	[tilespmem:$0x17F00] =	vst v63  }
.LBB2_12:
.Ltmp9:
0x135: {  	(pc) =	sbr.rel @!p0 .LBB2_14-.Ltmp9, $3  }
0x136: {  	_ =	sdelay $0x1  }
0x137: {  	_ =	swait.ge [sflag:s22], $0x400  }
0x138: {  	s25 =	sadd.s32 $0xFFFFFFFF, s25;
	[sflag:s22] =	ssyncset.done $0x0  }
.LBB2_13:
0x139: {  	p0 =	sne.s32 s25, $0x1;
	s25 =	sadd.s32 $0xFFFFFFFF, s25;
	[sflag:s22] =	ssyncadd.s32 $0xFFFFFC00  }
.Ltmp10:
0x13a: {  	(pc) =	sbr.rel @p0 .LBB2_13-.Ltmp10, $3  }
0x13b: {  	_ =	sdelay $0x1  }
0x13c: {  	_ =	swait.ge [sflag:s22], $0x400  }
0x13d: {  	[sflag:s22] =	ssyncset.done $0x0  }
.Ltmp11:
0x13e: {  	_ = 	snop;
	(pc) =	sbr.rel .LBB2_14-.Ltmp11, $1  }
0x13f: {  	_ =	sdelay $0x3  }
.LBB2_16:
0x140: {  	_ =	sfence.sel $0x180000  }
0x141: {  	[bflag:$0x0] =	sbarrier.arrive $0xFFFF  }
0x142: {  	p0 =	sne.s32 s2, $0x0;
	_ =	strace $0x90000047  }
0x143: {  	s0 =	sadd.s32 @!p0 $0x100000, s0;
	[bflag:$0x2] =	sbarrier.arrive $0xFFFF  }
0x144: {  	[sflag:s0] =	ssyncadd.tile.s32 @!p0 $0x1;
	_ =	shalt  }
.Lfunc_end2:
_tile_overlayer_lowered:
.L_overlay_start_2:
0x145: {  	(tag) =	ssettag $0x2  }
0x146: {  	s0 =	rddreg [dreg:$0x0];
	s2 =	stileid.u32  }
0x147: {  	s1 =	rddreg [dreg:$0x1];
	p0 =	sne.s32 s2, $0x0  }
0x148: {  	s3 =	rddreg [dreg:$0x2];
	[bflag:$0x3] =	sbarrier.arrive $0xFFFF;
	s2 =	simm.s32 @!p0 $0x1C03  }
0x149: {  	[timem:s3], [sflag:s2] =	dma.local @!p0 [hbm:s0], s1  }
0x14a: {  	s0 =	simm.s32 @!p0 $0x3  }
0x14b: {  	_ =	swait.ge @!p0 [sflag:s0], s1  }
0x14c: {  	s1 =	ssub.s32 @!p0 $0x0, s1;
	[sflag:s0] =	ssyncset.done @!p0 $0x0  }
0x14d: {  	[sflag:s0] =	ssyncadd.s32 @!p0 s1  }
0x14e: {  	[bflag:$0x3] =	sbarrier.arrive $0xFFFF  }
0x14f: {  	_ =	shalt  }

</sc_bundles>
